<compile_context>
chip_gen: v7x
topology: tpu7x:2x2x1
jax: 0.10.2.dev20260603
libtpu: 0.0.44.dev20260713+nightly
codegen_flags: <defaults>
</compile_context>

<pallas_src>
import jax
import jax.numpy as jnp
from jax import lax
from jax.experimental import pallas as pl
from jax.experimental.pallas import tpu as pltpu
from jax.experimental.pallas import tpu_sc as plsc

B, T, S, D = 32, 8, 2048, 1024
H = D // 2
L = 16
SBLK = 1024
NS = S // SBLK
NUM_SC_CORES = 2


def _rope_sc_body(k_new_hbm, v_new_hbm, cos_hbm, sin_hbm, pos_hbm, big_ref,
                  pos_v, kv, vv, crow, srow, rot, sem):
    c = lax.axis_index("c")
    s = lax.axis_index("s")
    b = s * NUM_SC_CORES + c

    pltpu.sync_copy(pos_hbm, pos_v)
    idx = pos_v.at[b]
    cp_c = pltpu.async_copy(cos_hbm.at[idx], crow, sem)
    cp_s = pltpu.async_copy(sin_hbm.at[idx], srow, sem)
    cp_v = pltpu.async_copy(v_new_hbm.at[b], vv, sem)
    pltpu.sync_copy(k_new_hbm.at[b], kv)
    cp_c.wait()
    cp_s.wait()

    lane = lax.iota(jnp.int32, L)
    lane2 = lane * 2

    for r in range(T):
        rows = jnp.full((L,), r, jnp.int32)

        def chunk(j, carry, r=r, rows=rows):
            i0 = j * L
            c = crow[r, pl.ds(i0, L)]
            s = srow[r, pl.ds(i0, L)]
            ev = 2 * i0 + lane2
            od = ev + 1
            x_e = plsc.load_gather(kv, [rows, ev])
            x_o = plsc.load_gather(kv, [rows, od])
            plsc.store_scatter(rot, [rows, ev], x_e * c - x_o * s)
            plsc.store_scatter(rot, [rows, od], x_e * s + x_o * c)
            return carry

        lax.fori_loop(0, H // L, chunk, 0)

    cp_v.wait()
    cp_rk = pltpu.async_copy(rot, big_ref.at[0, b].at[idx], sem)
    cp_rv = pltpu.async_copy(vv, big_ref.at[1, b].at[idx], sem)
    cp_rk.wait()
    cp_rv.wait()


def _rope_scatter_sc(k_new, v_new, cos, sin, positions, big_ref):
    mesh = plsc.VectorSubcoreMesh(core_axis_name="c", subcore_axis_name="s")
    fn = pl.kernel(
        _rope_sc_body,
        out_type=(),
        mesh=mesh,
        scratch_types=[
            pltpu.VMEM((B, T), jnp.int32),
            pltpu.VMEM((T, D), jnp.float32),
            pltpu.VMEM((T, D), jnp.float32),
            pltpu.VMEM((T, H), jnp.float32),
            pltpu.VMEM((T, H), jnp.float32),
            pltpu.VMEM((T, D), jnp.float32),
            pltpu.SemaphoreType.DMA,
        ],
        compiler_params=pltpu.CompilerParams(needs_layout_passes=False),
    )
    fn(k_new, v_new, cos, sin, positions, big_ref)


def _copy_body(ck_ref, cv_ref, out_ref):
    out_ref[0, 0] = ck_ref[0]
    out_ref[1, 0] = cv_ref[0]


def _copy_tc(cache_k, cache_v):
    return pl.pallas_call(
        _copy_body,
        grid=(B, NS),
        in_specs=[
            pl.BlockSpec((1, SBLK, D), lambda b, si: (b, si, 0)),
            pl.BlockSpec((1, SBLK, D), lambda b, si: (b, si, 0)),
        ],
        out_specs=pl.BlockSpec((2, 1, SBLK, D), lambda b, si: (0, b, si, 0)),
        out_shape=jax.ShapeDtypeStruct((2, B, S, D), jnp.float32),
        compiler_params=pltpu.CompilerParams(
            dimension_semantics=("arbitrary", "arbitrary"),
        ),
    )(cache_k, cache_v)


def kernel(k_new, v_new, cos, sin, cache_k, cache_v, positions):
    stacked = _copy_tc(cache_k, cache_v)
    big_ref = jax.new_ref(stacked)
    _rope_scatter_sc(k_new, v_new, cos, sin, positions, big_ref)
    return big_ref[...]

# --- scband reference (transcript-rebuilt; emitter-appended) ---
"""Pipeline reference for scband-model-7868380086954 (READ-ONLY COPY).

The authoritative reference and input builder live on the scoring server;
editing this copy changes nothing except your own understanding.
"""

import jax, jax.numpy as jnp
import numpy as np

B, T, S, D = 32, 8, 2048, 1024


def setup_inputs(seed: int = 0) -> dict:
    key = jax.random.key(seed)
    ks = jax.random.split(key, 6)
    k_new = jax.random.normal(ks[0], (B, T, D), dtype=jnp.float32)
    v_new = jax.random.normal(ks[1], (B, T, D), dtype=jnp.float32)
    cos = jax.random.uniform(ks[2], (S, D // 2), dtype=jnp.float32)
    sin = jax.random.uniform(ks[3], (S, D // 2), dtype=jnp.float32)
    cache_k = jax.random.normal(ks[4], (B, S, D), dtype=jnp.float32)
    cache_v = jax.random.normal(ks[5], (B, S, D), dtype=jnp.float32)
    positions = jnp.arange(B * T).reshape(B, T).astype(jnp.int32)
    return {
        "k_new": k_new,
        "v_new": v_new,
        "cos": cos,
        "sin": sin,
        "cache_k": cache_k,
        "cache_v": cache_v,
        "positions": positions,
    }


def reference(k_new, v_new, cos, sin, cache_k, cache_v, positions):
    # Gather per-position rotary tables: [B, T, D/2]
    c = jnp.take(cos, positions, axis=0)
    s = jnp.take(sin, positions, axis=0)
    # Rotate interleaved even/odd lanes of the fresh keys
    x_even = k_new[..., 0::2]
    x_odd = k_new[..., 1::2]
    rot_even = x_even * c - x_odd * s
    rot_odd = x_even * s + x_odd * c
    rotated = jnp.stack((rot_even, rot_odd), axis=-1).reshape(k_new.shape)
    # Scatter-overwrite into the running caches at (b, pos)
    b_idx = jnp.arange(k_new.shape[0])[:, None]
    updated_k = cache_k.at[b_idx, positions].set(rotated)
    updated_v = cache_v.at[b_idx, positions].set(v_new)
    return jnp.stack((updated_k, updated_v), axis=0)

if __name__ == "__main__":
    import jax
    _d = setup_inputs()
    print(jax.jit(kernel)(*tuple(_d.values())))

</pallas_src>

<mosaic_0001>
#map = affine_map<(d0, d1) -> (0, 0, 0)>
#map1 = affine_map<(d0, d1) -> (0, 0)>
#map2 = affine_map<(d0, d1) -> (0, 0, 0, 0)>
module attributes {stable_mosaic.version = 14 : i64} {
  func.func @new_body(%arg0: i32, %arg1: i32, %arg2: memref<32x8x1024xf32, #tpu.memory_space<hbm>>, %arg3: memref<32x8x1024xf32, #tpu.memory_space<hbm>>, %arg4: memref<2048x512xf32, #tpu.memory_space<hbm>>, %arg5: memref<2048x512xf32, #tpu.memory_space<hbm>>, %arg6: memref<32x8xi32, #tpu.memory_space<hbm>>, %arg7: memref<2x32x2048x1024xf32, #tpu.memory_space<hbm>>, %arg8: memref<2x32x2048x1024xf32, #tpu.memory_space<hbm>>, %arg9: memref<32x8xi32, #tpu.memory_space<vmem>>, %arg10: memref<8x1024xf32, #tpu.memory_space<vmem>>, %arg11: memref<8x1024xf32, #tpu.memory_space<vmem>>, %arg12: memref<8x512xf32, #tpu.memory_space<vmem>>, %arg13: memref<8x512xf32, #tpu.memory_space<vmem>>, %arg14: memref<8x1024xf32, #tpu.memory_space<vmem>>, %arg15: memref<!tpu.dma_semaphore, #tpu.memory_space<semaphore_mem>>) attributes {dimension_semantics = [#tpu.dimension_semantics<core_parallel>, #tpu.dimension_semantics<subcore_parallel>], iteration_bounds = array<i64: 2, 16>, scalar_prefetch = 0 : i64, scratch_operands = 7 : i64, tpu.core_type = #tpu.core_type<sc_vector_subcore>, window_params = [{transform_indices = #map}, {transform_indices = #map}, {transform_indices = #map1}, {transform_indices = #map1}, {transform_indices = #map1}, {transform_indices = #map2}, {transform_indices = #map2}]} {
    %mul3A = arith.constant 2 : i32
    %mul3A_0 = arith.muli %arg1, %mul3A : i32
    %add3A = arith.addi %mul3A_0, %arg0 : i32
    "tpu.region"() ({
      %run_scoped3A = tpu.sem_alloc : memref<!tpu.dma_semaphore, #tpu.memory_space<semaphore_mem>>
      tpu.enqueue_dma source(%arg6 : memref<32x8xi32, #tpu.memory_space<hbm>>) target(%arg9 : memref<32x8xi32, #tpu.memory_space<vmem>>) target_semaphore(%run_scoped3A : memref<!tpu.dma_semaphore, #tpu.memory_space<semaphore_mem>>)
      tpu.wait_dma2 semaphore(%run_scoped3A : memref<!tpu.dma_semaphore, #tpu.memory_space<semaphore_mem>>) src(%arg6 : memref<32x8xi32, #tpu.memory_space<hbm>>) dst(%arg9 : memref<32x8xi32, #tpu.memory_space<vmem>>)
      tpu.yield
    }) : () -> ()
    %dma_start3A = arith.constant 0 : i32
    %dma_start3A_1 = tpu.memref_slice %arg9[%add3A, %dma_start3A] : memref<32x8xi32, #tpu.memory_space<vmem>> -> memref<1x8xi32, #tpu.memory_space<vmem>>
    %dma_start3A_2 = tpu.memref_squeeze %dma_start3A_1 : memref<1x8xi32, #tpu.memory_space<vmem>> -> memref<8xi32, #tpu.memory_space<vmem>>
    %dma_start3A_3 = arith.constant 0 : i32
    %dma_start3A_4 = arith.constant 0 : i32
    %dma_start3A_5 = tpu.memref_slice %arg4[%dma_start3A_3, %dma_start3A_4] : memref<2048x512xf32, #tpu.memory_space<hbm>> -> memref<2048x512xf32, #tpu.memory_space<hbm>>
    tpu.enqueue_indirect_dma source(%dma_start3A_5 : memref<2048x512xf32, #tpu.memory_space<hbm>>) target(%arg12 : memref<8x512xf32, #tpu.memory_space<vmem>>) offsets(%dma_start3A_2 : memref<8xi32, #tpu.memory_space<vmem>>) semaphore(%arg15 : memref<!tpu.dma_semaphore, #tpu.memory_space<semaphore_mem>>)
    %dma_start3A_6 = arith.constant 0 : i32
    %dma_start3A_7 = tpu.memref_slice %arg9[%add3A, %dma_start3A_6] : memref<32x8xi32, #tpu.memory_space<vmem>> -> memref<1x8xi32, #tpu.memory_space<vmem>>
    %dma_start3A_8 = tpu.memref_squeeze %dma_start3A_7 : memref<1x8xi32, #tpu.memory_space<vmem>> -> memref<8xi32, #tpu.memory_space<vmem>>
    %dma_start3A_9 = arith.constant 0 : i32
    %dma_start3A_10 = arith.constant 0 : i32
    %dma_start3A_11 = tpu.memref_slice %arg5[%dma_start3A_9, %dma_start3A_10] : memref<2048x512xf32, #tpu.memory_space<hbm>> -> memref<2048x512xf32, #tpu.memory_space<hbm>>
    tpu.enqueue_indirect_dma source(%dma_start3A_11 : memref<2048x512xf32, #tpu.memory_space<hbm>>) target(%arg13 : memref<8x512xf32, #tpu.memory_space<vmem>>) offsets(%dma_start3A_8 : memref<8xi32, #tpu.memory_space<vmem>>) semaphore(%arg15 : memref<!tpu.dma_semaphore, #tpu.memory_space<semaphore_mem>>)
    %dma_start3A_12 = arith.constant 0 : i32
    %dma_start3A_13 = arith.constant 0 : i32
    %dma_start3A_14 = tpu.memref_slice %arg3[%add3A, %dma_start3A_12, %dma_start3A_13] : memref<32x8x1024xf32, #tpu.memory_space<hbm>> -> memref<1x8x1024xf32, #tpu.memory_space<hbm>>
    %dma_start3A_15 = tpu.memref_squeeze %dma_start3A_14 : memref<1x8x1024xf32, #tpu.memory_space<hbm>> -> memref<8x1024xf32, #tpu.memory_space<hbm>>
    %dma_start3A_16 = arith.constant 0 : i32
    %dma_start3A_17 = arith.constant 0 : i32
    %dma_start3A_18 = tpu.memref_slice %arg3[%add3A, %dma_start3A_16, %dma_start3A_17] : memref<32x8x1024xf32, #tpu.memory_space<hbm>> -> memref<1x8x1024xf32, #tpu.memory_space<hbm>>
    %dma_start3A_19 = tpu.memref_squeeze %dma_start3A_18 : memref<1x8x1024xf32, #tpu.memory_space<hbm>> -> memref<8x1024xf32, #tpu.memory_space<hbm>>
    tpu.enqueue_dma source(%dma_start3A_19 : memref<8x1024xf32, #tpu.memory_space<hbm>>) target(%arg11 : memref<8x1024xf32, #tpu.memory_space<vmem>>) target_semaphore(%arg15 : memref<!tpu.dma_semaphore, #tpu.memory_space<semaphore_mem>>)
    "tpu.region"() ({
      %run_scoped3A = tpu.sem_alloc : memref<!tpu.dma_semaphore, #tpu.memory_space<semaphore_mem>>
      %dma_start3A_148 = arith.constant 0 : i32
      %dma_start3A_149 = arith.constant 0 : i32
      %dma_start3A_150 = tpu.memref_slice %arg2[%add3A, %dma_start3A_148, %dma_start3A_149] : memref<32x8x1024xf32, #tpu.memory_space<hbm>> -> memref<1x8x1024xf32, #tpu.memory_space<hbm>>
      %dma_start3A_151 = tpu.memref_squeeze %dma_start3A_150 : memref<1x8x1024xf32, #tpu.memory_space<hbm>> -> memref<8x1024xf32, #tpu.memory_space<hbm>>
      %dma_start3A_152 = arith.constant 0 : i32
      %dma_start3A_153 = arith.constant 0 : i32
      %dma_start3A_154 = tpu.memref_slice %arg2[%add3A, %dma_start3A_152, %dma_start3A_153] : memref<32x8x1024xf32, #tpu.memory_space<hbm>> -> memref<1x8x1024xf32, #tpu.memory_space<hbm>>
      %dma_start3A_155 = tpu.memref_squeeze %dma_start3A_154 : memref<1x8x1024xf32, #tpu.memory_space<hbm>> -> memref<8x1024xf32, #tpu.memory_space<hbm>>
      tpu.enqueue_dma source(%dma_start3A_155 : memref<8x1024xf32, #tpu.memory_space<hbm>>) target(%arg10 : memref<8x1024xf32, #tpu.memory_space<vmem>>) target_semaphore(%run_scoped3A : memref<!tpu.dma_semaphore, #tpu.memory_space<semaphore_mem>>)
      %dma_wait3A_156 = arith.constant 0 : i32
      %dma_wait3A_157 = arith.constant 0 : i32
      %dma_wait3A_158 = tpu.memref_slice %arg2[%add3A, %dma_wait3A_156, %dma_wait3A_157] : memref<32x8x1024xf32, #tpu.memory_space<hbm>> -> memref<1x8x1024xf32, #tpu.memory_space<hbm>>
      %dma_wait3A_159 = tpu.memref_squeeze %dma_wait3A_158 : memref<1x8x1024xf32, #tpu.memory_space<hbm>> -> memref<8x1024xf32, #tpu.memory_space<hbm>>
      %dma_wait3A_160 = arith.constant 0 : i32
      %dma_wait3A_161 = arith.constant 0 : i32
      %dma_wait3A_162 = tpu.memref_slice %arg2[%add3A, %dma_wait3A_160, %dma_wait3A_161] : memref<32x8x1024xf32, #tpu.memory_space<hbm>> -> memref<1x8x1024xf32, #tpu.memory_space<hbm>>
      %dma_wait3A_163 = tpu.memref_squeeze %dma_wait3A_162 : memref<1x8x1024xf32, #tpu.memory_space<hbm>> -> memref<8x1024xf32, #tpu.memory_space<hbm>>
      tpu.wait_dma2 semaphore(%run_scoped3A : memref<!tpu.dma_semaphore, #tpu.memory_space<semaphore_mem>>) src(%dma_wait3A_163 : memref<8x1024xf32, #tpu.memory_space<hbm>>) dst(%arg10 : memref<8x1024xf32, #tpu.memory_space<vmem>>)
      tpu.yield
    }) : () -> ()
    %dma_wait3A = arith.constant 0 : i32
    %dma_wait3A_20 = tpu.memref_slice %arg9[%add3A, %dma_wait3A] : memref<32x8xi32, #tpu.memory_space<vmem>> -> memref<1x8xi32, #tpu.memory_space<vmem>>
    %dma_wait3A_21 = tpu.memref_squeeze %dma_wait3A_20 : memref<1x8xi32, #tpu.memory_space<vmem>> -> memref<8xi32, #tpu.memory_space<vmem>>
    %dma_wait3A_22 = arith.constant 0 : i32
    %dma_wait3A_23 = arith.constant 0 : i32
    %dma_wait3A_24 = tpu.memref_slice %arg4[%dma_wait3A_22, %dma_wait3A_23] : memref<2048x512xf32, #tpu.memory_space<hbm>> -> memref<2048x512xf32, #tpu.memory_space<hbm>>
    tpu.wait_indirect_dma semaphore(%arg15 : memref<!tpu.dma_semaphore, #tpu.memory_space<semaphore_mem>>) src(%dma_wait3A_24 : memref<2048x512xf32, #tpu.memory_space<hbm>>) dst(%arg12 : memref<8x512xf32, #tpu.memory_space<vmem>>)
    %dma_wait3A_25 = arith.constant 0 : i32
    %dma_wait3A_26 = tpu.memref_slice %arg9[%add3A, %dma_wait3A_25] : memref<32x8xi32, #tpu.memory_space<vmem>> -> memref<1x8xi32, #tpu.memory_space<vmem>>
    %dma_wait3A_27 = tpu.memref_squeeze %dma_wait3A_26 : memref<1x8xi32, #tpu.memory_space<vmem>> -> memref<8xi32, #tpu.memory_space<vmem>>
    %dma_wait3A_28 = arith.constant 0 : i32
    %dma_wait3A_29 = arith.constant 0 : i32
    %dma_wait3A_30 = tpu.memref_slice %arg5[%dma_wait3A_28, %dma_wait3A_29] : memref<2048x512xf32, #tpu.memory_space<hbm>> -> memref<2048x512xf32, #tpu.memory_space<hbm>>
    tpu.wait_indirect_dma semaphore(%arg15 : memref<!tpu.dma_semaphore, #tpu.memory_space<semaphore_mem>>) src(%dma_wait3A_30 : memref<2048x512xf32, #tpu.memory_space<hbm>>) dst(%arg13 : memref<8x512xf32, #tpu.memory_space<vmem>>)
    %iota3A = tpu.iota {dimensions = array<i32: 0>} : vector<16xi32>
    %mul3A_31 = arith.constant 2 : i32
    %mul3A_32 = vector.broadcast %mul3A_31 : i32 to vector<16xi32>
    %mul3A_33 = arith.muli %iota3A, %mul3A_32 : vector<16xi32>
    %broadcast_in_dim3A = arith.constant 0 : i32
    %broadcast_in_dim3A_34 = vector.broadcast %broadcast_in_dim3A : i32 to vector<16xi32>
    %scan3A = arith.constant 0 : i32
    %scan3A_35 = arith.constant 0 : i32
    %scan3A_36 = arith.constant 32 : i32
    %scan3A_37 = arith.addi %scan3A_35, %scan3A_36 : i32
    %scan3A_38 = arith.constant 1 : i32
    scf.for %scan3A_148 = %scan3A_35 to %scan3A_37 step %scan3A_38  : i32 {
      %mul3A_149 = arith.constant 16 : i32
      %mul3A_150 = arith.muli %scan3A_148, %mul3A_149 : i32
      %get3A = arith.constant 0 : i32
      %get3A_151 = arith.index_cast %get3A : i32 to index
      %get3A_152 = arith.index_cast %mul3A_150 : i32 to index
      %get3A_153 = tpu.vector_load %arg12[%get3A_151, %get3A_152] {strides = array<i32>} : memref<8x512xf32, #tpu.memory_space<vmem>>, vector<16xf32>,
      %get3A_154 = arith.constant 0 : i32
      %get3A_155 = arith.index_cast %get3A_154 : i32 to index
      %get3A_156 = arith.index_cast %mul3A_150 : i32 to index
      %get3A_157 = tpu.vector_load %arg13[%get3A_155, %get3A_156] {strides = array<i32>} : memref<8x512xf32, #tpu.memory_space<vmem>>, vector<16xf32>,
      %mul3A_158 = arith.constant 2 : i32
      %mul3A_159 = arith.muli %mul3A_158, %mul3A_150 : i32
      %add3A_160 = vector.broadcast %mul3A_159 : i32 to vector<16xi32>
      %add3A_161 = arith.addi %add3A_160, %mul3A_33 : vector<16xi32>
      %add3A_162 = arith.constant 1 : i32
      %add3A_163 = vector.broadcast %add3A_162 : i32 to vector<16xi32>
      %add3A_164 = arith.addi %add3A_161, %add3A_163 : vector<16xi32>
      %gather3A = tpu.vector_load_idx %arg10[%broadcast_in_dim3A_34, %add3A_161] : memref<8x1024xf32, #tpu.memory_space<vmem>>[vector<16xi32>, vector<16xi32>], vector<16xf32>,
      %gather3A_165 = tpu.vector_load_idx %arg10[%broadcast_in_dim3A_34, %add3A_164] : memref<8x1024xf32, #tpu.memory_space<vmem>>[vector<16xi32>, vector<16xi32>], vector<16xf32>,
      %mul3A_166 = arith.mulf %gather3A, %get3A_153 : vector<16xf32>
      %mul3A_167 = arith.mulf %gather3A_165, %get3A_157 : vector<16xf32>
      %sub3A = arith.subf %mul3A_166, %mul3A_167 : vector<16xf32>
      tpu.vector_store_idx %arg14[%broadcast_in_dim3A_34, %add3A_161], %sub3A : memref<8x1024xf32, #tpu.memory_space<vmem>>[vector<16xi32>, vector<16xi32>], vector<16xf32>,
      %mul3A_168 = arith.mulf %gather3A, %get3A_157 : vector<16xf32>
      %mul3A_169 = arith.mulf %gather3A_165, %get3A_153 : vector<16xf32>
      %add3A_170 = arith.addf %mul3A_168, %mul3A_169 : vector<16xf32>
      tpu.vector_store_idx %arg14[%broadcast_in_dim3A_34, %add3A_164], %add3A_170 : memref<8x1024xf32, #tpu.memory_space<vmem>>[vector<16xi32>, vector<16xi32>], vector<16xf32>,
    }
    %scan3A_39 = arith.constant 32 : i32
    %broadcast_in_dim3A_40 = arith.constant 1 : i32
    %broadcast_in_dim3A_41 = vector.broadcast %broadcast_in_dim3A_40 : i32 to vector<16xi32>
    %scan3A_42 = arith.constant 0 : i32
    %scan3A_43 = arith.constant 0 : i32
    %scan3A_44 = arith.constant 32 : i32
    %scan3A_45 = arith.addi %scan3A_43, %scan3A_44 : i32
    %scan3A_46 = arith.constant 1 : i32
    scf.for %scan3A_148 = %scan3A_43 to %scan3A_45 step %scan3A_46  : i32 {
      %mul3A_149 = arith.constant 16 : i32
      %mul3A_150 = arith.muli %scan3A_148, %mul3A_149 : i32
      %get3A = arith.constant 1 : i32
      %get3A_151 = arith.index_cast %get3A : i32 to index
      %get3A_152 = arith.index_cast %mul3A_150 : i32 to index
      %get3A_153 = tpu.vector_load %arg12[%get3A_151, %get3A_152] {strides = array<i32>} : memref<8x512xf32, #tpu.memory_space<vmem>>, vector<16xf32>,
      %get3A_154 = arith.constant 1 : i32
      %get3A_155 = arith.index_cast %get3A_154 : i32 to index
      %get3A_156 = arith.index_cast %mul3A_150 : i32 to index
      %get3A_157 = tpu.vector_load %arg13[%get3A_155, %get3A_156] {strides = array<i32>} : memref<8x512xf32, #tpu.memory_space<vmem>>, vector<16xf32>,
      %mul3A_158 = arith.constant 2 : i32
      %mul3A_159 = arith.muli %mul3A_158, %mul3A_150 : i32
      %add3A_160 = vector.broadcast %mul3A_159 : i32 to vector<16xi32>
      %add3A_161 = arith.addi %add3A_160, %mul3A_33 : vector<16xi32>
      %add3A_162 = arith.constant 1 : i32
      %add3A_163 = vector.broadcast %add3A_162 : i32 to vector<16xi32>
      %add3A_164 = arith.addi %add3A_161, %add3A_163 : vector<16xi32>
      %gather3A = tpu.vector_load_idx %arg10[%broadcast_in_dim3A_41, %add3A_161] : memref<8x1024xf32, #tpu.memory_space<vmem>>[vector<16xi32>, vector<16xi32>], vector<16xf32>,
      %gather3A_165 = tpu.vector_load_idx %arg10[%broadcast_in_dim3A_41, %add3A_164] : memref<8x1024xf32, #tpu.memory_space<vmem>>[vector<16xi32>, vector<16xi32>], vector<16xf32>,
      %mul3A_166 = arith.mulf %gather3A, %get3A_153 : vector<16xf32>
      %mul3A_167 = arith.mulf %gather3A_165, %get3A_157 : vector<16xf32>
      %sub3A = arith.subf %mul3A_166, %mul3A_167 : vector<16xf32>
      tpu.vector_store_idx %arg14[%broadcast_in_dim3A_41, %add3A_161], %sub3A : memref<8x1024xf32, #tpu.memory_space<vmem>>[vector<16xi32>, vector<16xi32>], vector<16xf32>,
      %mul3A_168 = arith.mulf %gather3A, %get3A_157 : vector<16xf32>
      %mul3A_169 = arith.mulf %gather3A_165, %get3A_153 : vector<16xf32>
      %add3A_170 = arith.addf %mul3A_168, %mul3A_169 : vector<16xf32>
      tpu.vector_store_idx %arg14[%broadcast_in_dim3A_41, %add3A_164], %add3A_170 : memref<8x1024xf32, #tpu.memory_space<vmem>>[vector<16xi32>, vector<16xi32>], vector<16xf32>,
    }
    %scan3A_47 = arith.constant 32 : i32
    %broadcast_in_dim3A_48 = arith.constant 2 : i32
    %broadcast_in_dim3A_49 = vector.broadcast %broadcast_in_dim3A_48 : i32 to vector<16xi32>
    %scan3A_50 = arith.constant 0 : i32
    %scan3A_51 = arith.constant 0 : i32
    %scan3A_52 = arith.constant 32 : i32
    %scan3A_53 = arith.addi %scan3A_51, %scan3A_52 : i32
    %scan3A_54 = arith.constant 1 : i32
    scf.for %scan3A_148 = %scan3A_51 to %scan3A_53 step %scan3A_54  : i32 {
      %mul3A_149 = arith.constant 16 : i32
      %mul3A_150 = arith.muli %scan3A_148, %mul3A_149 : i32
      %get3A = arith.constant 2 : i32
      %get3A_151 = arith.index_cast %get3A : i32 to index
      %get3A_152 = arith.index_cast %mul3A_150 : i32 to index
      %get3A_153 = tpu.vector_load %arg12[%get3A_151, %get3A_152] {strides = array<i32>} : memref<8x512xf32, #tpu.memory_space<vmem>>, vector<16xf32>,
      %get3A_154 = arith.constant 2 : i32
      %get3A_155 = arith.index_cast %get3A_154 : i32 to index
      %get3A_156 = arith.index_cast %mul3A_150 : i32 to index
      %get3A_157 = tpu.vector_load %arg13[%get3A_155, %get3A_156] {strides = array<i32>} : memref<8x512xf32, #tpu.memory_space<vmem>>, vector<16xf32>,
      %mul3A_158 = arith.constant 2 : i32
      %mul3A_159 = arith.muli %mul3A_158, %mul3A_150 : i32
      %add3A_160 = vector.broadcast %mul3A_159 : i32 to vector<16xi32>
      %add3A_161 = arith.addi %add3A_160, %mul3A_33 : vector<16xi32>
      %add3A_162 = arith.constant 1 : i32
      %add3A_163 = vector.broadcast %add3A_162 : i32 to vector<16xi32>
      %add3A_164 = arith.addi %add3A_161, %add3A_163 : vector<16xi32>
      %gather3A = tpu.vector_load_idx %arg10[%broadcast_in_dim3A_49, %add3A_161] : memref<8x1024xf32, #tpu.memory_space<vmem>>[vector<16xi32>, vector<16xi32>], vector<16xf32>,
      %gather3A_165 = tpu.vector_load_idx %arg10[%broadcast_in_dim3A_49, %add3A_164] : memref<8x1024xf32, #tpu.memory_space<vmem>>[vector<16xi32>, vector<16xi32>], vector<16xf32>,
      %mul3A_166 = arith.mulf %gather3A, %get3A_153 : vector<16xf32>
      %mul3A_167 = arith.mulf %gather3A_165, %get3A_157 : vector<16xf32>
      %sub3A = arith.subf %mul3A_166, %mul3A_167 : vector<16xf32>
      tpu.vector_store_idx %arg14[%broadcast_in_dim3A_49, %add3A_161], %sub3A : memref<8x1024xf32, #tpu.memory_space<vmem>>[vector<16xi32>, vector<16xi32>], vector<16xf32>,
      %mul3A_168 = arith.mulf %gather3A, %get3A_157 : vector<16xf32>
      %mul3A_169 = arith.mulf %gather3A_165, %get3A_153 : vector<16xf32>
      %add3A_170 = arith.addf %mul3A_168, %mul3A_169 : vector<16xf32>
      tpu.vector_store_idx %arg14[%broadcast_in_dim3A_49, %add3A_164], %add3A_170 : memref<8x1024xf32, #tpu.memory_space<vmem>>[vector<16xi32>, vector<16xi32>], vector<16xf32>,
    }
    %scan3A_55 = arith.constant 32 : i32
    %broadcast_in_dim3A_56 = arith.constant 3 : i32
    %broadcast_in_dim3A_57 = vector.broadcast %broadcast_in_dim3A_56 : i32 to vector<16xi32>
    %scan3A_58 = arith.constant 0 : i32
    %scan3A_59 = arith.constant 0 : i32
    %scan3A_60 = arith.constant 32 : i32
    %scan3A_61 = arith.addi %scan3A_59, %scan3A_60 : i32
    %scan3A_62 = arith.constant 1 : i32
    scf.for %scan3A_148 = %scan3A_59 to %scan3A_61 step %scan3A_62  : i32 {
      %mul3A_149 = arith.constant 16 : i32
      %mul3A_150 = arith.muli %scan3A_148, %mul3A_149 : i32
      %get3A = arith.constant 3 : i32
      %get3A_151 = arith.index_cast %get3A : i32 to index
      %get3A_152 = arith.index_cast %mul3A_150 : i32 to index
      %get3A_153 = tpu.vector_load %arg12[%get3A_151, %get3A_152] {strides = array<i32>} : memref<8x512xf32, #tpu.memory_space<vmem>>, vector<16xf32>,
      %get3A_154 = arith.constant 3 : i32
      %get3A_155 = arith.index_cast %get3A_154 : i32 to index
      %get3A_156 = arith.index_cast %mul3A_150 : i32 to index
      %get3A_157 = tpu.vector_load %arg13[%get3A_155, %get3A_156] {strides = array<i32>} : memref<8x512xf32, #tpu.memory_space<vmem>>, vector<16xf32>,
      %mul3A_158 = arith.constant 2 : i32
      %mul3A_159 = arith.muli %mul3A_158, %mul3A_150 : i32
      %add3A_160 = vector.broadcast %mul3A_159 : i32 to vector<16xi32>
      %add3A_161 = arith.addi %add3A_160, %mul3A_33 : vector<16xi32>
      %add3A_162 = arith.constant 1 : i32
      %add3A_163 = vector.broadcast %add3A_162 : i32 to vector<16xi32>
      %add3A_164 = arith.addi %add3A_161, %add3A_163 : vector<16xi32>
      %gather3A = tpu.vector_load_idx %arg10[%broadcast_in_dim3A_57, %add3A_161] : memref<8x1024xf32, #tpu.memory_space<vmem>>[vector<16xi32>, vector<16xi32>], vector<16xf32>,
      %gather3A_165 = tpu.vector_load_idx %arg10[%broadcast_in_dim3A_57, %add3A_164] : memref<8x1024xf32, #tpu.memory_space<vmem>>[vector<16xi32>, vector<16xi32>], vector<16xf32>,
      %mul3A_166 = arith.mulf %gather3A, %get3A_153 : vector<16xf32>
      %mul3A_167 = arith.mulf %gather3A_165, %get3A_157 : vector<16xf32>
      %sub3A = arith.subf %mul3A_166, %mul3A_167 : vector<16xf32>
      tpu.vector_store_idx %arg14[%broadcast_in_dim3A_57, %add3A_161], %sub3A : memref<8x1024xf32, #tpu.memory_space<vmem>>[vector<16xi32>, vector<16xi32>], vector<16xf32>,
      %mul3A_168 = arith.mulf %gather3A, %get3A_157 : vector<16xf32>
      %mul3A_169 = arith.mulf %gather3A_165, %get3A_153 : vector<16xf32>
      %add3A_170 = arith.addf %mul3A_168, %mul3A_169 : vector<16xf32>
      tpu.vector_store_idx %arg14[%broadcast_in_dim3A_57, %add3A_164], %add3A_170 : memref<8x1024xf32, #tpu.memory_space<vmem>>[vector<16xi32>, vector<16xi32>], vector<16xf32>,
    }
    %scan3A_63 = arith.constant 32 : i32
    %broadcast_in_dim3A_64 = arith.constant 4 : i32
    %broadcast_in_dim3A_65 = vector.broadcast %broadcast_in_dim3A_64 : i32 to vector<16xi32>
    %scan3A_66 = arith.constant 0 : i32
    %scan3A_67 = arith.constant 0 : i32
    %scan3A_68 = arith.constant 32 : i32
    %scan3A_69 = arith.addi %scan3A_67, %scan3A_68 : i32
    %scan3A_70 = arith.constant 1 : i32
    scf.for %scan3A_148 = %scan3A_67 to %scan3A_69 step %scan3A_70  : i32 {
      %mul3A_149 = arith.constant 16 : i32
      %mul3A_150 = arith.muli %scan3A_148, %mul3A_149 : i32
      %get3A = arith.constant 4 : i32
      %get3A_151 = arith.index_cast %get3A : i32 to index
      %get3A_152 = arith.index_cast %mul3A_150 : i32 to index
      %get3A_153 = tpu.vector_load %arg12[%get3A_151, %get3A_152] {strides = array<i32>} : memref<8x512xf32, #tpu.memory_space<vmem>>, vector<16xf32>,
      %get3A_154 = arith.constant 4 : i32
      %get3A_155 = arith.index_cast %get3A_154 : i32 to index
      %get3A_156 = arith.index_cast %mul3A_150 : i32 to index
      %get3A_157 = tpu.vector_load %arg13[%get3A_155, %get3A_156] {strides = array<i32>} : memref<8x512xf32, #tpu.memory_space<vmem>>, vector<16xf32>,
      %mul3A_158 = arith.constant 2 : i32
      %mul3A_159 = arith.muli %mul3A_158, %mul3A_150 : i32
      %add3A_160 = vector.broadcast %mul3A_159 : i32 to vector<16xi32>
      %add3A_161 = arith.addi %add3A_160, %mul3A_33 : vector<16xi32>
      %add3A_162 = arith.constant 1 : i32
      %add3A_163 = vector.broadcast %add3A_162 : i32 to vector<16xi32>
      %add3A_164 = arith.addi %add3A_161, %add3A_163 : vector<16xi32>
      %gather3A = tpu.vector_load_idx %arg10[%broadcast_in_dim3A_65, %add3A_161] : memref<8x1024xf32, #tpu.memory_space<vmem>>[vector<16xi32>, vector<16xi32>], vector<16xf32>,
      %gather3A_165 = tpu.vector_load_idx %arg10[%broadcast_in_dim3A_65, %add3A_164] : memref<8x1024xf32, #tpu.memory_space<vmem>>[vector<16xi32>, vector<16xi32>], vector<16xf32>,
      %mul3A_166 = arith.mulf %gather3A, %get3A_153 : vector<16xf32>
      %mul3A_167 = arith.mulf %gather3A_165, %get3A_157 : vector<16xf32>
      %sub3A = arith.subf %mul3A_166, %mul3A_167 : vector<16xf32>
      tpu.vector_store_idx %arg14[%broadcast_in_dim3A_65, %add3A_161], %sub3A : memref<8x1024xf32, #tpu.memory_space<vmem>>[vector<16xi32>, vector<16xi32>], vector<16xf32>,
      %mul3A_168 = arith.mulf %gather3A, %get3A_157 : vector<16xf32>
      %mul3A_169 = arith.mulf %gather3A_165, %get3A_153 : vector<16xf32>
      %add3A_170 = arith.addf %mul3A_168, %mul3A_169 : vector<16xf32>
      tpu.vector_store_idx %arg14[%broadcast_in_dim3A_65, %add3A_164], %add3A_170 : memref<8x1024xf32, #tpu.memory_space<vmem>>[vector<16xi32>, vector<16xi32>], vector<16xf32>,
    }
    %scan3A_71 = arith.constant 32 : i32
    %broadcast_in_dim3A_72 = arith.constant 5 : i32
    %broadcast_in_dim3A_73 = vector.broadcast %broadcast_in_dim3A_72 : i32 to vector<16xi32>
    %scan3A_74 = arith.constant 0 : i32
    %scan3A_75 = arith.constant 0 : i32
    %scan3A_76 = arith.constant 32 : i32
    %scan3A_77 = arith.addi %scan3A_75, %scan3A_76 : i32
    %scan3A_78 = arith.constant 1 : i32
    scf.for %scan3A_148 = %scan3A_75 to %scan3A_77 step %scan3A_78  : i32 {
      %mul3A_149 = arith.constant 16 : i32
      %mul3A_150 = arith.muli %scan3A_148, %mul3A_149 : i32
      %get3A = arith.constant 5 : i32
      %get3A_151 = arith.index_cast %get3A : i32 to index
      %get3A_152 = arith.index_cast %mul3A_150 : i32 to index
      %get3A_153 = tpu.vector_load %arg12[%get3A_151, %get3A_152] {strides = array<i32>} : memref<8x512xf32, #tpu.memory_space<vmem>>, vector<16xf32>,
      %get3A_154 = arith.constant 5 : i32
      %get3A_155 = arith.index_cast %get3A_154 : i32 to index
      %get3A_156 = arith.index_cast %mul3A_150 : i32 to index
      %get3A_157 = tpu.vector_load %arg13[%get3A_155, %get3A_156] {strides = array<i32>} : memref<8x512xf32, #tpu.memory_space<vmem>>, vector<16xf32>,
      %mul3A_158 = arith.constant 2 : i32
      %mul3A_159 = arith.muli %mul3A_158, %mul3A_150 : i32
      %add3A_160 = vector.broadcast %mul3A_159 : i32 to vector<16xi32>
      %add3A_161 = arith.addi %add3A_160, %mul3A_33 : vector<16xi32>
      %add3A_162 = arith.constant 1 : i32
      %add3A_163 = vector.broadcast %add3A_162 : i32 to vector<16xi32>
      %add3A_164 = arith.addi %add3A_161, %add3A_163 : vector<16xi32>
      %gather3A = tpu.vector_load_idx %arg10[%broadcast_in_dim3A_73, %add3A_161] : memref<8x1024xf32, #tpu.memory_space<vmem>>[vector<16xi32>, vector<16xi32>], vector<16xf32>,
      %gather3A_165 = tpu.vector_load_idx %arg10[%broadcast_in_dim3A_73, %add3A_164] : memref<8x1024xf32, #tpu.memory_space<vmem>>[vector<16xi32>, vector<16xi32>], vector<16xf32>,
      %mul3A_166 = arith.mulf %gather3A, %get3A_153 : vector<16xf32>
      %mul3A_167 = arith.mulf %gather3A_165, %get3A_157 : vector<16xf32>
      %sub3A = arith.subf %mul3A_166, %mul3A_167 : vector<16xf32>
      tpu.vector_store_idx %arg14[%broadcast_in_dim3A_73, %add3A_161], %sub3A : memref<8x1024xf32, #tpu.memory_space<vmem>>[vector<16xi32>, vector<16xi32>], vector<16xf32>,
      %mul3A_168 = arith.mulf %gather3A, %get3A_157 : vector<16xf32>
      %mul3A_169 = arith.mulf %gather3A_165, %get3A_153 : vector<16xf32>
      %add3A_170 = arith.addf %mul3A_168, %mul3A_169 : vector<16xf32>
      tpu.vector_store_idx %arg14[%broadcast_in_dim3A_73, %add3A_164], %add3A_170 : memref<8x1024xf32, #tpu.memory_space<vmem>>[vector<16xi32>, vector<16xi32>], vector<16xf32>,
    }
    %scan3A_79 = arith.constant 32 : i32
    %broadcast_in_dim3A_80 = arith.constant 6 : i32
    %broadcast_in_dim3A_81 = vector.broadcast %broadcast_in_dim3A_80 : i32 to vector<16xi32>
    %scan3A_82 = arith.constant 0 : i32
    %scan3A_83 = arith.constant 0 : i32
    %scan3A_84 = arith.constant 32 : i32
    %scan3A_85 = arith.addi %scan3A_83, %scan3A_84 : i32
    %scan3A_86 = arith.constant 1 : i32
    scf.for %scan3A_148 = %scan3A_83 to %scan3A_85 step %scan3A_86  : i32 {
      %mul3A_149 = arith.constant 16 : i32
      %mul3A_150 = arith.muli %scan3A_148, %mul3A_149 : i32
      %get3A = arith.constant 6 : i32
      %get3A_151 = arith.index_cast %get3A : i32 to index
      %get3A_152 = arith.index_cast %mul3A_150 : i32 to index
      %get3A_153 = tpu.vector_load %arg12[%get3A_151, %get3A_152] {strides = array<i32>} : memref<8x512xf32, #tpu.memory_space<vmem>>, vector<16xf32>,
      %get3A_154 = arith.constant 6 : i32
      %get3A_155 = arith.index_cast %get3A_154 : i32 to index
      %get3A_156 = arith.index_cast %mul3A_150 : i32 to index
      %get3A_157 = tpu.vector_load %arg13[%get3A_155, %get3A_156] {strides = array<i32>} : memref<8x512xf32, #tpu.memory_space<vmem>>, vector<16xf32>,
      %mul3A_158 = arith.constant 2 : i32
      %mul3A_159 = arith.muli %mul3A_158, %mul3A_150 : i32
      %add3A_160 = vector.broadcast %mul3A_159 : i32 to vector<16xi32>
      %add3A_161 = arith.addi %add3A_160, %mul3A_33 : vector<16xi32>
      %add3A_162 = arith.constant 1 : i32
      %add3A_163 = vector.broadcast %add3A_162 : i32 to vector<16xi32>
      %add3A_164 = arith.addi %add3A_161, %add3A_163 : vector<16xi32>
      %gather3A = tpu.vector_load_idx %arg10[%broadcast_in_dim3A_81, %add3A_161] : memref<8x1024xf32, #tpu.memory_space<vmem>>[vector<16xi32>, vector<16xi32>], vector<16xf32>,
      %gather3A_165 = tpu.vector_load_idx %arg10[%broadcast_in_dim3A_81, %add3A_164] : memref<8x1024xf32, #tpu.memory_space<vmem>>[vector<16xi32>, vector<16xi32>], vector<16xf32>,
      %mul3A_166 = arith.mulf %gather3A, %get3A_153 : vector<16xf32>
      %mul3A_167 = arith.mulf %gather3A_165, %get3A_157 : vector<16xf32>
      %sub3A = arith.subf %mul3A_166, %mul3A_167 : vector<16xf32>
      tpu.vector_store_idx %arg14[%broadcast_in_dim3A_81, %add3A_161], %sub3A : memref<8x1024xf32, #tpu.memory_space<vmem>>[vector<16xi32>, vector<16xi32>], vector<16xf32>,
      %mul3A_168 = arith.mulf %gather3A, %get3A_157 : vector<16xf32>
      %mul3A_169 = arith.mulf %gather3A_165, %get3A_153 : vector<16xf32>
      %add3A_170 = arith.addf %mul3A_168, %mul3A_169 : vector<16xf32>
      tpu.vector_store_idx %arg14[%broadcast_in_dim3A_81, %add3A_164], %add3A_170 : memref<8x1024xf32, #tpu.memory_space<vmem>>[vector<16xi32>, vector<16xi32>], vector<16xf32>,
    }
    %scan3A_87 = arith.constant 32 : i32
    %broadcast_in_dim3A_88 = arith.constant 7 : i32
    %broadcast_in_dim3A_89 = vector.broadcast %broadcast_in_dim3A_88 : i32 to vector<16xi32>
    %scan3A_90 = arith.constant 0 : i32
    %scan3A_91 = arith.constant 0 : i32
    %scan3A_92 = arith.constant 32 : i32
    %scan3A_93 = arith.addi %scan3A_91, %scan3A_92 : i32
    %scan3A_94 = arith.constant 1 : i32
    scf.for %scan3A_148 = %scan3A_91 to %scan3A_93 step %scan3A_94  : i32 {
      %mul3A_149 = arith.constant 16 : i32
      %mul3A_150 = arith.muli %scan3A_148, %mul3A_149 : i32
      %get3A = arith.constant 7 : i32
      %get3A_151 = arith.index_cast %get3A : i32 to index
      %get3A_152 = arith.index_cast %mul3A_150 : i32 to index
      %get3A_153 = tpu.vector_load %arg12[%get3A_151, %get3A_152] {strides = array<i32>} : memref<8x512xf32, #tpu.memory_space<vmem>>, vector<16xf32>,
      %get3A_154 = arith.constant 7 : i32
      %get3A_155 = arith.index_cast %get3A_154 : i32 to index
      %get3A_156 = arith.index_cast %mul3A_150 : i32 to index
      %get3A_157 = tpu.vector_load %arg13[%get3A_155, %get3A_156] {strides = array<i32>} : memref<8x512xf32, #tpu.memory_space<vmem>>, vector<16xf32>,
      %mul3A_158 = arith.constant 2 : i32
      %mul3A_159 = arith.muli %mul3A_158, %mul3A_150 : i32
      %add3A_160 = vector.broadcast %mul3A_159 : i32 to vector<16xi32>
      %add3A_161 = arith.addi %add3A_160, %mul3A_33 : vector<16xi32>
      %add3A_162 = arith.constant 1 : i32
      %add3A_163 = vector.broadcast %add3A_162 : i32 to vector<16xi32>
      %add3A_164 = arith.addi %add3A_161, %add3A_163 : vector<16xi32>
      %gather3A = tpu.vector_load_idx %arg10[%broadcast_in_dim3A_89, %add3A_161] : memref<8x1024xf32, #tpu.memory_space<vmem>>[vector<16xi32>, vector<16xi32>], vector<16xf32>,
      %gather3A_165 = tpu.vector_load_idx %arg10[%broadcast_in_dim3A_89, %add3A_164] : memref<8x1024xf32, #tpu.memory_space<vmem>>[vector<16xi32>, vector<16xi32>], vector<16xf32>,
      %mul3A_166 = arith.mulf %gather3A, %get3A_153 : vector<16xf32>
      %mul3A_167 = arith.mulf %gather3A_165, %get3A_157 : vector<16xf32>
      %sub3A = arith.subf %mul3A_166, %mul3A_167 : vector<16xf32>
      tpu.vector_store_idx %arg14[%broadcast_in_dim3A_89, %add3A_161], %sub3A : memref<8x1024xf32, #tpu.memory_space<vmem>>[vector<16xi32>, vector<16xi32>], vector<16xf32>,
      %mul3A_168 = arith.mulf %gather3A, %get3A_157 : vector<16xf32>
      %mul3A_169 = arith.mulf %gather3A_165, %get3A_153 : vector<16xf32>
      %add3A_170 = arith.addf %mul3A_168, %mul3A_169 : vector<16xf32>
      tpu.vector_store_idx %arg14[%broadcast_in_dim3A_89, %add3A_164], %add3A_170 : memref<8x1024xf32, #tpu.memory_space<vmem>>[vector<16xi32>, vector<16xi32>], vector<16xf32>,
    }
    %scan3A_95 = arith.constant 32 : i32
    %dma_wait3A_96 = arith.constant 0 : i32
    %dma_wait3A_97 = arith.constant 0 : i32
    %dma_wait3A_98 = tpu.memref_slice %arg3[%add3A, %dma_wait3A_96, %dma_wait3A_97] : memref<32x8x1024xf32, #tpu.memory_space<hbm>> -> memref<1x8x1024xf32, #tpu.memory_space<hbm>>
    %dma_wait3A_99 = tpu.memref_squeeze %dma_wait3A_98 : memref<1x8x1024xf32, #tpu.memory_space<hbm>> -> memref<8x1024xf32, #tpu.memory_space<hbm>>
    %dma_wait3A_100 = arith.constant 0 : i32
    %dma_wait3A_101 = arith.constant 0 : i32
    %dma_wait3A_102 = tpu.memref_slice %arg3[%add3A, %dma_wait3A_100, %dma_wait3A_101] : memref<32x8x1024xf32, #tpu.memory_space<hbm>> -> memref<1x8x1024xf32, #tpu.memory_space<hbm>>
    %dma_wait3A_103 = tpu.memref_squeeze %dma_wait3A_102 : memref<1x8x1024xf32, #tpu.memory_space<hbm>> -> memref<8x1024xf32, #tpu.memory_space<hbm>>
    tpu.wait_dma2 semaphore(%arg15 : memref<!tpu.dma_semaphore, #tpu.memory_space<semaphore_mem>>) src(%dma_wait3A_103 : memref<8x1024xf32, #tpu.memory_space<hbm>>) dst(%arg11 : memref<8x1024xf32, #tpu.memory_space<vmem>>)
    %dma_start3A_104 = arith.constant 0 : i32
    %dma_start3A_105 = arith.constant 0 : i32
    %dma_start3A_106 = tpu.memref_slice %arg9[%add3A, %dma_start3A_105] : memref<32x8xi32, #tpu.memory_space<vmem>> -> memref<1x8xi32, #tpu.memory_space<vmem>>
    %dma_start3A_107 = tpu.memref_squeeze %dma_start3A_106 : memref<1x8xi32, #tpu.memory_space<vmem>> -> memref<8xi32, #tpu.memory_space<vmem>>
    %dma_start3A_108 = arith.constant 0 : i32
    %dma_start3A_109 = arith.constant 0 : i32
    %dma_start3A_110 = tpu.memref_slice %arg7[%dma_start3A_104, %add3A, %dma_start3A_108, %dma_start3A_109] : memref<2x32x2048x1024xf32, #tpu.memory_space<hbm>> -> memref<1x1x2048x1024xf32, #tpu.memory_space<hbm>>
    %dma_start3A_111 = tpu.memref_squeeze %dma_start3A_110 : memref<1x1x2048x1024xf32, #tpu.memory_space<hbm>> -> memref<2048x1024xf32, #tpu.memory_space<hbm>>
    %dma_start3A_112 = arith.constant 0 : i32
    %dma_start3A_113 = arith.constant 0 : i32
    %dma_start3A_114 = tpu.memref_slice %dma_start3A_111[%dma_start3A_112, %dma_start3A_113] : memref<2048x1024xf32, #tpu.memory_space<hbm>> -> memref<2048x1024xf32, #tpu.memory_space<hbm>>
    tpu.enqueue_indirect_dma source(%arg14 : memref<8x1024xf32, #tpu.memory_space<vmem>>) target(%dma_start3A_114 : memref<2048x1024xf32, #tpu.memory_space<hbm>>) offsets(%dma_start3A_107 : memref<8xi32, #tpu.memory_space<vmem>>) semaphore(%arg15 : memref<!tpu.dma_semaphore, #tpu.memory_space<semaphore_mem>>)
    %dma_start3A_115 = arith.constant 1 : i32
    %dma_start3A_116 = arith.constant 0 : i32
    %dma_start3A_117 = tpu.memref_slice %arg9[%add3A, %dma_start3A_116] : memref<32x8xi32, #tpu.memory_space<vmem>> -> memref<1x8xi32, #tpu.memory_space<vmem>>
    %dma_start3A_118 = tpu.memref_squeeze %dma_start3A_117 : memref<1x8xi32, #tpu.memory_space<vmem>> -> memref<8xi32, #tpu.memory_space<vmem>>
    %dma_start3A_119 = arith.constant 0 : i32
    %dma_start3A_120 = arith.constant 0 : i32
    %dma_start3A_121 = tpu.memref_slice %arg7[%dma_start3A_115, %add3A, %dma_start3A_119, %dma_start3A_120] : memref<2x32x2048x1024xf32, #tpu.memory_space<hbm>> -> memref<1x1x2048x1024xf32, #tpu.memory_space<hbm>>
    %dma_start3A_122 = tpu.memref_squeeze %dma_start3A_121 : memref<1x1x2048x1024xf32, #tpu.memory_space<hbm>> -> memref<2048x1024xf32, #tpu.memory_space<hbm>>
    %dma_start3A_123 = arith.constant 0 : i32
    %dma_start3A_124 = arith.constant 0 : i32
    %dma_start3A_125 = tpu.memref_slice %dma_start3A_122[%dma_start3A_123, %dma_start3A_124] : memref<2048x1024xf32, #tpu.memory_space<hbm>> -> memref<2048x1024xf32, #tpu.memory_space<hbm>>
    tpu.enqueue_indirect_dma source(%arg11 : memref<8x1024xf32, #tpu.memory_space<vmem>>) target(%dma_start3A_125 : memref<2048x1024xf32, #tpu.memory_space<hbm>>) offsets(%dma_start3A_118 : memref<8xi32, #tpu.memory_space<vmem>>) semaphore(%arg15 : memref<!tpu.dma_semaphore, #tpu.memory_space<semaphore_mem>>)
    %dma_wait3A_126 = arith.constant 0 : i32
    %dma_wait3A_127 = arith.constant 0 : i32
    %dma_wait3A_128 = tpu.memref_slice %arg9[%add3A, %dma_wait3A_127] : memref<32x8xi32, #tpu.memory_space<vmem>> -> memref<1x8xi32, #tpu.memory_space<vmem>>
    %dma_wait3A_129 = tpu.memref_squeeze %dma_wait3A_128 : memref<1x8xi32, #tpu.memory_space<vmem>> -> memref<8xi32, #tpu.memory_space<vmem>>
    %dma_wait3A_130 = arith.constant 0 : i32
    %dma_wait3A_131 = arith.constant 0 : i32
    %dma_wait3A_132 = tpu.memref_slice %arg7[%dma_wait3A_126, %add3A, %dma_wait3A_130, %dma_wait3A_131] : memref<2x32x2048x1024xf32, #tpu.memory_space<hbm>> -> memref<1x1x2048x1024xf32, #tpu.memory_space<hbm>>
    %dma_wait3A_133 = tpu.memref_squeeze %dma_wait3A_132 : memref<1x1x2048x1024xf32, #tpu.memory_space<hbm>> -> memref<2048x1024xf32, #tpu.memory_space<hbm>>
    %dma_wait3A_134 = arith.constant 0 : i32
    %dma_wait3A_135 = arith.constant 0 : i32
    %dma_wait3A_136 = tpu.memref_slice %dma_wait3A_133[%dma_wait3A_134, %dma_wait3A_135] : memref<2048x1024xf32, #tpu.memory_space<hbm>> -> memref<2048x1024xf32, #tpu.memory_space<hbm>>
    tpu.wait_indirect_dma semaphore(%arg15 : memref<!tpu.dma_semaphore, #tpu.memory_space<semaphore_mem>>) src(%arg14 : memref<8x1024xf32, #tpu.memory_space<vmem>>) dst(%dma_wait3A_136 : memref<2048x1024xf32, #tpu.memory_space<hbm>>)
    %dma_wait3A_137 = arith.constant 1 : i32
    %dma_wait3A_138 = arith.constant 0 : i32
    %dma_wait3A_139 = tpu.memref_slice %arg9[%add3A, %dma_wait3A_138] : memref<32x8xi32, #tpu.memory_space<vmem>> -> memref<1x8xi32, #tpu.memory_space<vmem>>
    %dma_wait3A_140 = tpu.memref_squeeze %dma_wait3A_139 : memref<1x8xi32, #tpu.memory_space<vmem>> -> memref<8xi32, #tpu.memory_space<vmem>>
    %dma_wait3A_141 = arith.constant 0 : i32
    %dma_wait3A_142 = arith.constant 0 : i32
    %dma_wait3A_143 = tpu.memref_slice %arg7[%dma_wait3A_137, %add3A, %dma_wait3A_141, %dma_wait3A_142] : memref<2x32x2048x1024xf32, #tpu.memory_space<hbm>> -> memref<1x1x2048x1024xf32, #tpu.memory_space<hbm>>
    %dma_wait3A_144 = tpu.memref_squeeze %dma_wait3A_143 : memref<1x1x2048x1024xf32, #tpu.memory_space<hbm>> -> memref<2048x1024xf32, #tpu.memory_space<hbm>>
    %dma_wait3A_145 = arith.constant 0 : i32
    %dma_wait3A_146 = arith.constant 0 : i32
    %dma_wait3A_147 = tpu.memref_slice %dma_wait3A_144[%dma_wait3A_145, %dma_wait3A_146] : memref<2048x1024xf32, #tpu.memory_space<hbm>> -> memref<2048x1024xf32, #tpu.memory_space<hbm>>
    tpu.wait_indirect_dma semaphore(%arg15 : memref<!tpu.dma_semaphore, #tpu.memory_space<semaphore_mem>>) src(%arg11 : memref<8x1024xf32, #tpu.memory_space<vmem>>) dst(%dma_wait3A_147 : memref<2048x1024xf32, #tpu.memory_space<hbm>>)
    return
  }
}

module attributes {stable_mosaic.version = 14 : i64} {
  func.func @_copy_body(%arg0: i32, %arg1: i32, %arg2: memref<1x1024x1024xf32, #tpu.memory_space<vmem>>, %arg3: memref<1x1024x1024xf32, #tpu.memory_space<vmem>>, %arg4: memref<2x1x1024x1024xf32, #tpu.memory_space<vmem>>) attributes {dimension_semantics = [#tpu.dimension_semantics<arbitrary>, #tpu.dimension_semantics<arbitrary>], iteration_bounds = array<i64: 32, 2>, scalar_prefetch = 0 : i64, scratch_operands = 0 : i64, tpu.core_type = #tpu.core_type<tc>, window_params = [{transform_indices = @transform_0, window_bounds = array<i64: 1, 1024, 1024>}, {transform_indices = @transform_1, window_bounds = array<i64: 1, 1024, 1024>}, {transform_indices = @transform_2, window_bounds = array<i64: 2, 1, 1024, 1024>}]} {
    %get3A = arith.constant 0 : index
    %get3A_0 = arith.constant 0 : index
    %get3A_1 = arith.constant 0 : index
    %get3A_2 = vector.load %arg2[%get3A, %get3A_0, %get3A_1] : memref<1x1024x1024xf32, #tpu.memory_space<vmem>>, vector<1x1024x1024xf32>
    %get3A_3 = vector.shape_cast %get3A_2 : vector<1x1024x1024xf32> to vector<1024x1024xf32>
    %swap3A = arith.constant 0 : index
    %swap3A_4 = arith.constant 0 : index
    %swap3A_5 = arith.constant 0 : index
    %swap3A_6 = arith.constant 0 : index
    %swap3A_7 = vector.load %arg4[%swap3A, %swap3A_4, %swap3A_5, %swap3A_6] : memref<2x1x1024x1024xf32, #tpu.memory_space<vmem>>, vector<1x1x1024x1024xf32>
    %swap3A_8 = vector.shape_cast %swap3A_7 : vector<1x1x1024x1024xf32> to vector<1024x1024xf32>
    %swap3A_9 = vector.shape_cast %get3A_3 : vector<1024x1024xf32> to vector<1x1x1024x1024xf32>
    tpu.vector_store %arg4[%swap3A, %swap3A_4, %swap3A_5, %swap3A_6], %swap3A_9 {strides = array<i32>} : memref<2x1x1024x1024xf32, #tpu.memory_space<vmem>>, vector<1x1x1024x1024xf32>,
    %get3A_10 = arith.constant 0 : index
    %get3A_11 = arith.constant 0 : index
    %get3A_12 = arith.constant 0 : index
    %get3A_13 = vector.load %arg3[%get3A_10, %get3A_11, %get3A_12] : memref<1x1024x1024xf32, #tpu.memory_space<vmem>>, vector<1x1024x1024xf32>
    %get3A_14 = vector.shape_cast %get3A_13 : vector<1x1024x1024xf32> to vector<1024x1024xf32>
    %swap3A_15 = arith.constant 1 : index
    %swap3A_16 = arith.constant 0 : index
    %swap3A_17 = arith.constant 0 : index
    %swap3A_18 = arith.constant 0 : index
    %swap3A_19 = vector.load %arg4[%swap3A_15, %swap3A_16, %swap3A_17, %swap3A_18] : memref<2x1x1024x1024xf32, #tpu.memory_space<vmem>>, vector<1x1x1024x1024xf32>
    %swap3A_20 = vector.shape_cast %swap3A_19 : vector<1x1x1024x1024xf32> to vector<1024x1024xf32>
    %swap3A_21 = vector.shape_cast %get3A_14 : vector<1024x1024xf32> to vector<1x1x1024x1024xf32>
    tpu.vector_store %arg4[%swap3A_15, %swap3A_16, %swap3A_17, %swap3A_18], %swap3A_21 {strides = array<i32>} : memref<2x1x1024x1024xf32, #tpu.memory_space<vmem>>, vector<1x1x1024x1024xf32>,
    return
  }
  func.func @transform_0(%arg0: i32, %arg1: i32) -> (i32, i32, i32) {
    %c0_i32 = arith.constant 0 : i32
    %c0_i32_0 = arith.constant 0 : i32
    return %arg0, %arg1, %c0_i32 : i32, i32, i32
  }
  func.func @transform_1(%arg0: i32, %arg1: i32) -> (i32, i32, i32) {
    %c0_i32 = arith.constant 0 : i32
    %c0_i32_0 = arith.constant 0 : i32
    return %arg0, %arg1, %c0_i32 : i32, i32, i32
  }
  func.func @transform_2(%arg0: i32, %arg1: i32) -> (i32, i32, i32, i32) {
    %c0_i32 = arith.constant 0 : i32
    %c0_i32_0 = arith.constant 0 : i32
    %c0_i32_1 = arith.constant 0 : i32
    return %c0_i32, %arg0, %arg1, %c0_i32_0 : i32, i32, i32, i32
  }
}

</mosaic_0001>

<sc_bundles>
// kernel: kernel.4.cloned.1.call-start
scs
__scs_entry_jumppad:
0x0: {  	(pc) =	sbr.rel $0x88, $3  }
0x1: {  	(tag) =	ssettag $0x0;
	lr =	simm.s32 $0x1  }
0x2: {  	[smem:$0x3F9A] =	sst lr;
	_ =	strace $0xD0000000  }
0x3: {  	_ = 	snop  }
0x4: {  	_ = 	snop  }
0x5: {  	_ = 	snop  }
0x6: {  	_ = 	snop  }
0x7: {  	_ = 	snop  }
__scs_overlays_trampoline_lowered:
0x8: {  	[smem:$0x3FA9] =	sst s0  }
0x9: {  	[smem:$0x3FAA] =	sst s1  }
0xa: {  	[smem:$0x3FAB] =	sst s2  }
0xb: {  	[smem:$0x3FAC] =	sst s3  }
0xc: {  	[smem:$0x3FAD] =	sst s4  }
0xd: {  	[smem:$0x3FAE] =	sst s5  }
0xe: {  	[smem:$0x3FAF] =	sst s6  }
0xf: {  	[smem:$0x3FB0] =	sst s7  }
0x10: {  	[smem:$0x3FB1] =	sst s8  }
0x11: {  	[smem:$0x3FB2] =	sst s9;
	s0 =	simm.s32 @!p0 $0x0  }
0x12: {  	s1 =	sld [smem:$0x3F98];
	s0 =	simm.s32 @p0 $0x1  }
0x13: {  	[smem:$0x3FB3] =	sst s0;
	s0 =	simm.s32 @!p1 $0x0  }
0x14: {  	s2 =	sld [smem:$0x3F97];
	s0 =	simm.s32 @p1 $0x1  }
0x15: {  	[smem:$0x3FB4] =	sst s0;
	s0 =	simm.s32 @!p2 $0x0  }
0x16: {  	s3 =	sld [smem:$0x3FDB];
	s0 =	simm.s32 @p2 $0x1  }
0x17: {  	s4 =	simm.s32 $0x1BF5;
	[smem:$0x3FB6] =	sst s0  }
0x18: {  	s0 =	sld [smem:$0x3F99];
	_ =	swait.ge [sflag:s4], $0x0  }
0x19: {  	s7 =	sld [smem:$0x3F9A]  }
0x1a: {  	s8 =	sadd.s32 $0xFFFFE003, lr  }
0x1b: {  	s9 =	sadd.s32 $0xFFFFFEF7, lr;
	s5 =	simm.s32 $0xFFFFFFFF;
	p2 =	slt.u32 s8, $0xFFFFF086  }
0x1c: {  	p1 =	slt.u32 s9, $0xF7A;
	s5 =	simm.s32 @!p2 $0x0  }
0x1d: {  	s5 =	simm.s32 @p1 $0x1;
	p0 =	seq.s32 s7, s2  }
0x1e: {  	s7 =	smul.u32 @!p0 $0xF7A, s2;
	p2 =	seq.s32 @!p0 s5, $0x0  }
0x1f: {  	s9 =	smul.u32 $0xF7A, s1;
	s8 =	simm.s32 @!p0 $0x1BF5;
	p2 =	por !p2, p0  }
0x20: {  	[sflag:s8] =	ssyncset.s32 @!p0 $0xFFFFF086;
	s6 =	sadd.s32 @!p0 s3, s7;
	s7 =	simm.s32 @!p0 $0x108  }
0x21: {  	s3 =	sadd.s32 s3, s9;
	s6 =	sadd.s32 @!p0 $0x88, s6;
	s7 =	simm.s32 @p2 $0x1082  }
0x22: {  	[simem:s7], [sflag:s8] =	dma.local @!p0 [hbm:s6], $0xF7A  }
0x23: {  	s9 =	sor.u32 $0xD0000000, s2;
	s6 =	simm.s32 $0x108;
	_ =	swait.ge @!p0 [sflag:s8], $0x0  }
0x24: {  	s3 =	sadd.s32 $0x88, s3;
	s6 =	simm.s32 @!p1 $0x1082;
	[sflag:s4] =	ssyncset.s32 $0xFFFFF086  }
0x25: {  	[simem:s6], [sflag:s4] =	dma.local [hbm:s3], $0xF7A  }
0x26: {  	[smem:$0x3F9A] =	sst s1;
	(tag) =	ssettag s2;
	_ =	strace s9  }
0x27: {  	s1 =	sld [smem:$0x3FAA]  }
0x28: {  	s2 =	sld [smem:$0x3FAB]  }
0x29: {  	s4 =	sld [smem:$0x3FAD]  }
0x2a: {  	p0 =	seq.s32 s5, $0x0;
	s5 =	sld [smem:$0x3FAE]  }
0x2b: {  	s6 =	sld [smem:$0x3FAF]  }
0x2c: {  	s7 =	sld [smem:$0x3FB0]  }
0x2d: {  	s3 =	simm.s32 $0x108;
	s8 =	sld [smem:$0x3FB1]  }
0x2e: {  	s3 =	simm.s32 @!p0 $0x1082;
	s9 =	sld [smem:$0x3FB2]  }
0x2f: {  	lr =	sadd.s32 s0, s3;
	s0 =	sld [smem:$0x3FA9]  }
0x30: {  	s3 =	sld [smem:$0x3FAC]  }
0x31: {  	[smem:$0x3FB5] =	sst s10  }
0x32: {  	s10 =	sld [smem:$0x3FB3];
	_ =	sdelay $0x3  }
0x33: {  	p0 =	seq.s32 s10, $0x1;
	s10 =	sld [smem:$0x3FB5];
	_ =	sdelay $0x3  }
0x34: {  	[smem:$0x3FB5] =	sst s10  }
0x35: {  	s10 =	sld [smem:$0x3FB4];
	_ =	sdelay $0x3  }
0x36: {  	p1 =	seq.s32 s10, $0x1;
	s10 =	sld [smem:$0x3FB5];
	_ =	sdelay $0x3  }
0x37: {  	[smem:$0x3FB5] =	sst s10  }
0x38: {  	s10 =	sld [smem:$0x3FB6]  }
0x39: {  	_ = 	snop;
	(pc) =	sbr.ind lr, $3  }
0x3a: {  	_ = 	snop  }
0x3b: {  	_ = 	snop  }
0x3c: {  	p2 =	seq.s32 s10, $0x1;
	s10 =	sld [smem:$0x3FB5]  }
0x3d: {  	_ =	shalt  }
0x3e: {  	_ =	shalt  }
0x3f: {  	_ =	shalt  }
0x40: {  	_ =	shalt  }
0x41: {  	_ =	shalt  }
0x42: {  	_ =	shalt  }
0x43: {  	_ =	shalt  }
0x44: {  	_ =	shalt  }
0x45: {  	_ =	shalt  }
0x46: {  	_ =	shalt  }
0x47: {  	_ =	shalt  }
0x48: {  	_ =	shalt  }
0x49: {  	_ =	shalt  }
0x4a: {  	_ =	shalt  }
0x4b: {  	_ =	shalt  }
0x4c: {  	_ =	shalt  }
0x4d: {  	_ =	shalt  }
0x4e: {  	_ =	shalt  }
0x4f: {  	_ =	shalt  }
0x50: {  	_ =	shalt  }
0x51: {  	_ =	shalt  }
0x52: {  	_ =	shalt  }
0x53: {  	_ =	shalt  }
0x54: {  	_ =	shalt  }
0x55: {  	_ =	shalt  }
0x56: {  	_ =	shalt  }
0x57: {  	_ =	shalt  }
0x58: {  	_ =	shalt  }
0x59: {  	_ =	shalt  }
0x5a: {  	_ =	shalt  }
0x5b: {  	_ =	shalt  }
0x5c: {  	_ =	shalt  }
0x5d: {  	_ =	shalt  }
0x5e: {  	_ =	shalt  }
0x5f: {  	_ =	shalt  }
0x60: {  	_ =	shalt  }
0x61: {  	_ =	shalt  }
0x62: {  	_ =	shalt  }
0x63: {  	_ =	shalt  }
0x64: {  	_ =	shalt  }
0x65: {  	_ =	shalt  }
0x66: {  	_ =	shalt  }
0x67: {  	_ =	shalt  }
0x68: {  	_ =	shalt  }
0x69: {  	_ =	shalt  }
0x6a: {  	_ =	shalt  }
0x6b: {  	_ =	shalt  }
0x6c: {  	_ =	shalt  }
0x6d: {  	_ =	shalt  }
0x6e: {  	_ =	shalt  }
0x6f: {  	_ =	shalt  }
0x70: {  	_ =	shalt  }
0x71: {  	_ =	shalt  }
0x72: {  	_ =	shalt  }
0x73: {  	_ =	shalt  }
0x74: {  	_ =	shalt  }
0x75: {  	_ =	shalt  }
0x76: {  	_ =	shalt  }
0x77: {  	_ =	shalt  }
0x78: {  	_ =	shalt  }
0x79: {  	_ =	shalt  }
0x7a: {  	_ =	shalt  }
0x7b: {  	_ =	shalt  }
0x7c: {  	_ =	shalt  }
0x7d: {  	_ =	shalt  }
0x7e: {  	_ =	shalt  }
0x7f: {  	_ =	shalt  }
0x80: {  	_ =	shalt  }
0x81: {  	_ =	shalt  }
0x82: {  	_ =	shalt  }
0x83: {  	_ =	shalt  }
0x84: {  	_ =	shalt  }
0x85: {  	_ =	shalt  }
0x86: {  	_ =	shalt  }
0x87: {  	_ =	shalt  }
.Lfunc_end0:
.L_simem_size_0:
called_computation_lowered:
.L_overlay_start_0:
0x88: {  	s2 =	sld [smem:$0x3FD9]  }
0x89: {  	s3 =	sld [smem:$0x3FFE];
	_ =	sdelay $0x1  }
0x8a: {  	s1 =	srdreg.scid  }
0x8b: {  	s0 =	sand.u32 $0x1, s1  }
0x8c: {  	s17 =	sshll.u32 s0, $0xA;
	s2 =	sadd.s32 s3, s2  }
0x8d: {  	s2 =	sadd.s32 s2, s17  }
0x8e: {  	[smem:$0x3FC1] =	sst s2  }
0x8f: {  	_ = 	snop  }
0x90: {  	s2 =	sld [smem:$0x3FC9]  }
0x91: {  	s18 =	sld [smem:$0x3FC8]  }
0x92: {  	s4 =	sld [smem:$0x3FC7]  }
0x93: {  	s5 =	sld [smem:$0x3FC6]  }
0x94: {  	s6 =	sld [smem:$0x3FD0];
	(tm) =	ssettm $0x1  }
0x95: {  	s7 =	sld [smem:$0x3FFB];
	_ =	sdelay $0x3  }
0x96: {  	_ =	strace s7  }
0x97: {  	s7 =	sld [smem:$0x3FFC];
	_ =	sdelay $0x3  }
0x98: {  	_ =	strace s7  }
0x99: {  	s7 =	sld [smem:$0x3FFD];
	_ =	sdelay $0x3  }
0x9a: {  	_ =	strace s7  }
0x9b: {  	_ =	strace $0x8FFFFFFF  }
0x9c: {  	s19 =	sld [smem:$0x3FDB];
	_ =	sdelay $0x1  }
0x9d: {  	s8 =	simm.s32 $_scs_section_size  }
0x9e: {  	s9 =	simm.s32 $_size__tile_overlayer_lowered;
	s10 =	simm.s32 $_tile_overlayer_lowered  }
0x9f: {  	s22 =	simm.s32 $0x1BFF;
	s21 =	sshll.u32 s10, $0x1;
	s7 =	sadd.s32 s8, s19  }
0xa0: {  	s11 =	simm.s32 $0x0;
	s20 =	sshll.u32 s9, $0x1;
	s9 =	sadd.s32 s21, s7  }
0xa1: {  	[timem:s11], [sflag:s22] =	dma.local [hbm:s9], s20  }
0xa2: {  	_ =	swait.ge [sflag:s22], s20  }
0xa3: {  	s8 =	ssub.s32 $0x0, s20;
	[sflag:s22] =	ssyncset.done $0x0  }
0xa4: {  	[sflag:s22] =	ssyncadd.s32 s8;
	_ =	sdelay $0x1  }
0xa5: {  	s23 =	simm.s32 $0x1B8B  }
0xa6: {  	_ =	swait.ge [sflag:s23], $0x1  }
0xa7: {  	[sflag:s23] =	ssyncset.done $0x0  }
0xa8: {  	s25 =	simm.s32 $0x1B8E;
	s24 =	sld [smem:$0x3FFE];
	[sflag:s23] =	ssyncadd.s32 $0xFFFFFFFF  }
0xa9: {  	s26 =	simm.s32 $execute0_lowered;
	[smem:$0x3FD2] =	sst s25  }
0xaa: {  	s9 =	sshll.u32 s26, $0x1;
	_ =	strace $0x80000046;
	[dreg:$0x1] =	wrdreg $0xFFFFFFFF  }
0xab: {  	s28 =	simm.s32 $_size_execute0_lowered;
	s7 =	sadd.s32 s7, s9;
	[dreg:$0x0] =	wrdreg $0x0  }
0xac: {  	s9 =	sshll.u32 s28, $0x1;
	[dreg:$0x2] =	wrdreg s7  }
0xad: {  	[dreg:$0x3] =	wrdreg s9  }
0xae: {  	[dreg:$0x4] =	wrdreg $0xC0  }
0xaf: {  	_ =	task [dreg:s11], $0x5FFFF  }
0xb0: {  	[dreg:$0x1] =	wrdreg $0xFFFFFFFF  }
0xb1: {  	[dreg:$0x0] =	wrdreg $0x60  }
0xb2: {  	[dreg:$0x2] =	wrdreg s2  }
0xb3: {  	[dreg:$0x3] =	wrdreg s18  }
0xb4: {  	[dreg:$0x4] =	wrdreg s4  }
0xb5: {  	[dreg:$0x5] =	wrdreg s5  }
0xb6: {  	[dreg:$0x6] =	wrdreg s24  }
0xb7: {  	[dreg:$0x7] =	wrdreg s6  }
0xb8: {  	[dreg:$0x8] =	wrdreg $0x9  }
0xb9: {  	_ =	task.clear_ibuf [dreg:s11], $0x9FFFF;
	_ =	strace $0x90000046  }
0xba: {  	s29 =	simm.s32 $0x9;
	_ =	strace $0x80000048  }
0xbb: {  	_ =	swait.ge [sflag:s29], $0x1  }
0xbc: {  	[sflag:s29] =	ssyncadd.s32 $0xFFFFFFFF  }
0xbd: {  	_ =	strace $0x90000048  }
0xbe: {  	_ =	sfence  }
0xbf: {  	s30 =	sld [smem:$0x0];
	_ =	sdelay $0x2  }
0xc0: {  	s31 =	sshll.u32 s1, $0xD;
	s1 =	sshrl.u32 s1, $0x2  }
0xc1: {  	s3 =	sand.u32 $0x4000, s31;
	s1 =	sadd.s32 s1, s30  }
0xc2: {  	s0 =	sor.u32 s3, s0;
	s1 =	sshll.u32 s1, $0x11  }
0xc3: {  	s0 =	sor.u32 s1, s0  }
0xc4: {  	s0 =	sadd.s32 $0x8F2B, s0  }
0xc5: {  	[sflag:s0] =	ssyncadd.remote.s32 $0x1  }
0xc6: {  	_ =	sfence.sel $0xFFFF  }
0xc7: {  	[dreg:$0x0] =	wrdreg $0xFFFFFFFF;
	(pc) =	sbr.abs _section_cstart, $3  }
0xc8: {  	[dreg:$0x1] =	wrdreg $0xFFFFFFFF  }
0xc9: {  	_ =	task.clear_ibuf [dreg:s11], $0x2FFFF;
	_ =	strace $0x9FFFFFFF  }
0xca: {  	(tm) =	ssettm $0x7FFFFFFF  }
0xcb: {  	_ =	shalt  }
tec
execute0_lowered:
.L_overlay_start_1:
0x0: {  	(tag) =	ssettag $0x1  }
0x1: {  	s0 =	rddreg [dreg:$0x0]  }
0x2: {  	s1 =	rddreg [dreg:$0x1]  }
0x3: {  	s10 =	rddreg [dreg:$0x2]  }
0x4: {  	s11 =	rddreg [dreg:$0x3]  }
0x5: {  	s2 =	rddreg [dreg:$0x4]  }
0x6: {  	s3 =	rddreg [dreg:$0x5];
	s4 =	simm.s32 $0x0  }
0x7: {  	s5 =	srdreg.scid;
	s8 =	stileid.u32;
	s14 =	simm.s32 $0x2  }
0x8: {  	s19 =	simm.s32 $0x3000;
	s20 =	simm.s32 $0x1000;
	s21 =	simm.s32 $0x1  }
0x9: {  	s22 =	simm.s32 $0x7000;
	s23 =	simm.s32 $0x7800;
	s24 =	simm.s32 $0x8000  }
0xa: {  	s28 =	simm.s32 $0x4000;
	s29 =	simm.s32 $0x4800;
	s30 =	simm.s32 $0x0  }
0xb: {  	[smem:$0x7FF] =	sst s4;
	s6 =	sand.u32 $0x1, s5;
	s8 =	sshll.u32 s8, $0x1  }
0xc: {  	s5 =	sadd.s32 $0x400, s2;
	_ =	strace $0x80000047;
	s7 =	ssub.s32 $0x2, s6  }
0xd: {  	s9 =	sor.u32 s6, s8;
	s8 =	sadd.s32 $0x100, s11;
	s25 =	sshrl.u32 s7, $0x1  }
0xe: {  	v2 =	vlaneseq.u32;
	s6 =	sshll.u32 s9, $0x7;
	s26 =	sshll.u32 s9, $0xA;
	s31 =	sshll.u32 s9, $0x12  }
0xf: {  	v0 =	vmul.u32 $0x2, v2;
	s2 =	ssub.s32 s7, s25;
	s7 =	sadd.s32 $0x100, s10;
	s9 =	sadd.s32 s1, s26  }
0x10: {  	v1 =	vand.u32 $0x7, v2;
	v2 =	vshrl.u32 v2, $0x3;
	s10 =	sadd.s32 s0, s26;
	s11 =	sadd.s32 s3, s31;
	s25 =	simm.s32 $0x8800  }
0x11: {  	vm0 =	vmmov $0xffff;
	v2 =	vmul.u32 $0x8, v2;
	v3 =	vor.u32 $0x1, v0;
	s26 =	simm.s32 $0x3800;
	s12 =	sadd.s32 $0x800000, s11;
	s13 =	smax.u32 s2, $0x1  }
.LBB2_1:
0x12: {  	[tilespmem:s4], [sflag:$0x2] =	stream.linear.gather [hbm4b:s5+s4], $0x1000, $0x38;
	[tilespmem:$0x9000] =	vst v63  }
0x13: {  	_ =	swait.ge [sflag:s14], $0x1000  }
0x14: {  	[sflag:s14] =	ssyncset.done $0x0  }
0x15: {  	[sflag:s14] =	ssyncadd.s32 $0xFFFFF000  }
0x16: {  	v4 =	vld.msk [tilespmem:s6+$0x0], $0xff;
	_ =	sdelay $0x4  }
0x17: {  	v5 =	vshll.u32 v4, $0x2  }
0x18: {  	v4 =	vand.u32 $0x7, v4;
	v5 =	vand.u32 $0xFFFFFFE0, v5  }
0x19: {  	v4 =	vor.u32 v4, v5  }
0x1a: {  	v4 =	vperm.xlane v4, v1;
	_ =	sdelay $0x1  }
0x1b: {  	v4 =	vadd.s32 v2, v4;
	_ =	sdelay $0x3  }
0x1c: {  	s1 =	simm.s32 $0x5000;
	s0 =	rddreg [dreg:$0x2]  }
0x1d: {  	[tilespmem:s1], [sflag:$0x1] =	stream.indirect_vreg.gather [hbm4b:s0+s4], $0x80, v4, vm0, $0xb8;
	[tilespmem:$0x9000] =	vst v63  }
0x1e: {  	s3 =	simm.s32 $0x5800  }
0x1f: {  	[tilespmem:s3], [sflag:$0x1] =	stream.indirect_vreg.gather [hbm4b:s7+s4], $0x80, v4, vm0, $0xb8;
	[tilespmem:$0x9000] =	vst v63  }
0x20: {  	v4 =	vld.msk [tilespmem:s6+$0x0], $0xff;
	_ =	sdelay $0x4  }
0x21: {  	v5 =	vshll.u32 v4, $0x2  }
0x22: {  	v4 =	vand.u32 $0x7, v4;
	v5 =	vand.u32 $0xFFFFFFE0, v5  }
0x23: {  	v4 =	vor.u32 v4, v5  }
0x24: {  	v4 =	vperm.xlane v4, v1;
	_ =	sdelay $0x1  }
0x25: {  	v4 =	vadd.s32 v2, v4;
	_ =	sdelay $0x3  }
0x26: {  	s16 =	simm.s32 $0x6000;
	s15 =	rddreg [dreg:$0x3]  }
0x27: {  	[tilespmem:s16], [sflag:$0x1] =	stream.indirect_vreg.gather [hbm4b:s15+s4], $0x80, v4, vm0, $0xb8;
	[tilespmem:$0x9000] =	vst v63  }
0x28: {  	s17 =	simm.s32 $0x6800  }
0x29: {  	[tilespmem:s17], [sflag:$0x1] =	stream.indirect_vreg.gather [hbm4b:s8+s4], $0x80, v4, vm0, $0xb8;
	[tilespmem:$0x9000] =	vst v63  }
0x2a: {  	_ = 	snop  }
0x2b: {  	[tilespmem:s19], [sflag:$0x1] =	stream.linear.gather [hbm4b:s9+s4], $0x2000, $0x38;
	[tilespmem:$0x9000] =	vst v63  }
0x2c: {  	_ = 	snop  }
0x2d: {  	[tilespmem:s20], [sflag:$0x2] =	stream.linear.gather [hbm4b:s10+s4], $0x2000, $0x38;
	[tilespmem:$0x9000] =	vst v63  }
0x2e: {  	_ =	swait.ge [sflag:s14], $0x2000  }
0x2f: {  	v4 =	vmov s4;
	[sflag:s14] =	ssyncset.done $0x0  }
0x30: {  	v5 =	vor.u32 s4, v0;
	v4 =	vshll.u32 v4, $0x3;
	[sflag:s14] =	ssyncadd.s32 $0xFFFFE000  }
0x31: {  	v5 =	vand.u32 $0x7E, v5;
	v4 =	vand.u32 $0x1C00, v4;
	_ =	swait.ge [sflag:s21], $0x1000  }
0x32: {  	v6 =	vor.u32 s4, v3;
	v5 =	vor.u32 v5, v4;
	[sflag:s21] =	ssyncset.done $0x0  }
0x33: {  	v6 =	vand.u32 $0x7F, v6;
	[sflag:s21] =	ssyncadd.s32 $0xFFFFF000  }
0x34: {  	v4 =	vor.u32 v6, v4;
	_ =	swait.ge [sflag:s21], $0x1000  }
0x35: {  	[sflag:s21] =	ssyncset.done $0x0  }
0x36: {  	s18 =	sand.u32 $0x70, s4;
	s31 =	sand.u32 $0xC00, s4;
	[sflag:s21] =	ssyncadd.s32 $0xFFFFF000  }
0x37: {  	s0 =	sor.u32 s18, s31;
	v11 =	vld.idx.msk [tilespmem:v5+s20+$0x0], $0xffff  }
0x38: {  	v12 =	vld [tilespmem:s0+$0x5000]  }
0x39: {  	v13 =	vld.idx.msk [tilespmem:v4+s20+$0x0], $0xffff  }
0x3a: {  	v14 =	vld [tilespmem:s0+$0x6000];
	_ =	sdelay $0x1  }
0x3b: {  	s0 =	simm.s32 $0x20  }
0x3c: {  	v7 =	vmov s0;
	v8 =	vor.u32 s0, v0  }
0x3d: {  	v6 =	vor.u32 s0, v3;
	v9 =	vand.u32 $0x7E, v8;
	v7 =	vshll.u32 v7, $0x3  }
0x3e: {  	v7 =	vand.u32 $0x1C00, v7;
	v8 =	vmul.f32 v11, v12;
	v10 =	vmul.f32 v13, v14  }
0x3f: {  	s2 =	simm.s32 $0x10;
	s1 =	simm.s32 $0x0;
	s3 =	simm.s32 $0x20;
	v9 =	vor.u32 v9, v7;
	v11 =	vmul.f32 v11, v14;
	v12 =	vmul.f32 v13, v12  }
.LBB2_2:
0x40: {  	p0 =	sne.s32 s3, $0x1F0;
	v6 =	vand.u32 $0x7F, v6;
	v8 =	vsub.f32 v8, v10  }
0x41: {  	v6 =	vor.u32 v6, v7;
	v7 =	vadd.f32 v12, v11  }
0x42: {  	s1 =	sadd.s32 $0x80, s1;
	[tilespmem:v5+s22+$0x0] =	vst.idx.msk $0xffff, v8;
	v5 =	vmov v9  }
0x43: {  	s2 =	sand.u32 $0x70, s2;
	s15 =	sand.u32 $0xC00, s1;
	[tilespmem:v4+s22+$0x0] =	vst.idx.msk $0xffff, v7;
	v4 =	vmov v6  }
0x44: {  	s15 =	sor.u32 s2, s15;
	s2 =	smov.u32 s3;
	v11 =	vld.idx.msk [tilespmem:v9+s20+$0x0], $0xffff  }
0x45: {  	v12 =	vld [tilespmem:s15+$0x5000]  }
0x46: {  	v13 =	vld.idx.msk [tilespmem:v6+s20+$0x0], $0xffff  }
0x47: {  	v14 =	vld [tilespmem:s15+$0x6000];
	_ =	sdelay $0x1  }
.Ltmp0:
0x48: {  	s0 =	sadd.s32 $0x20, s0;
	(pc) =	sbr.rel @p0 .LBB2_2-.Ltmp0, $4  }
0x49: {  	v8 =	vor.u32 s0, v0;
	v7 =	vmov s0  }
0x4a: {  	v9 =	vand.u32 $0x7E, v8;
	v7 =	vshll.u32 v7, $0x3;
	v6 =	vor.u32 s0, v3  }
0x4b: {  	v7 =	vand.u32 $0x1C00, v7;
	v8 =	vmul.f32 v11, v12;
	v10 =	vmul.f32 v13, v14  }
0x4c: {  	s3 =	sadd.s32 $0x10, s3;
	v9 =	vor.u32 v9, v7;
	v12 =	vmul.f32 v13, v12;
	v11 =	vmul.f32 v11, v14  }
0x4d: {  	_ =	sdelay $0x1  }
0x4e: {  	v6 =	vand.u32 $0x7F, v6;
	v8 =	vsub.f32 v8, v10  }
0x4f: {  	v10 =	vor.u32 v6, v7;
	v6 =	vadd.f32 v12, v11  }
0x50: {  	s0 =	sadd.s32 $0x80, s1;
	[tilespmem:v5+s22+$0x0] =	vst.idx.msk $0xffff, v8  }
0x51: {  	s16 =	sand.u32 $0x70, s2;
	s0 =	sand.u32 $0xC00, s0;
	[tilespmem:v4+s22+$0x0] =	vst.idx.msk $0xffff, v6  }
0x52: {  	s0 =	sor.u32 s16, s0;
	v4 =	vld.idx.msk [tilespmem:v9+s20+$0x0], $0xffff  }
0x53: {  	v6 =	vld [tilespmem:s0+$0x5000]  }
0x54: {  	v8 =	vld [tilespmem:s0+$0x6000]  }
0x55: {  	v7 =	vld.idx.msk [tilespmem:v10+s20+$0x0], $0xffff  }
0x56: {  	s31 =	simm.s32 $0x0  }
0x57: {  	v5 =	vmov s31  }
0x58: {  	v13 =	vor.u32 s31, v0;
	v5 =	vshll.u32 v5, $0x3  }
0x59: {  	v5 =	vand.u32 $0x1C00, v5;
	v11 =	vmul.f32 v4, v6;
	v14 =	vmul.f32 v4, v8  }
0x5a: {  	v4 =	vand.u32 $0x7E, v13;
	v13 =	vor.u32 $0x80, v5;
	v12 =	vmul.f32 v7, v8  }
0x5b: {  	v7 =	vmul.f32 v7, v6;
	v8 =	vor.u32 v4, v13  }
0x5c: {  	v6 =	vor.u32 s31, v3;
	v11 =	vsub.f32 v11, v12  }
0x5d: {  	v6 =	vand.u32 $0x7F, v6;
	v12 =	vadd.f32 v7, v14  }
0x5e: {  	v7 =	vor.u32 v6, v13;
	[tilespmem:v9+s22+$0x0] =	vst.idx.msk $0xffff, v11  }
0x5f: {  	s17 =	sand.u32 $0x70, s31;
	s18 =	sand.u32 $0xC00, s31;
	[tilespmem:v10+s22+$0x0] =	vst.idx.msk $0xffff, v12  }
0x60: {  	s3 =	sor.u32 s18, s17;
	v9 =	vld.idx.msk [tilespmem:v8+s20+$0x0], $0xffff  }
0x61: {  	v10 =	vld [tilespmem:s3+$0x5080]  }
0x62: {  	v12 =	vld [tilespmem:s3+$0x6080]  }
0x63: {  	v11 =	vld.idx.msk [tilespmem:v7+s20+$0x0], $0xffff  }
0x64: {  	s1 =	simm.s32 $0x20  }
0x65: {  	v13 =	vmov s1  }
0x66: {  	v14 =	vor.u32 s1, v0;
	v16 =	vshll.u32 v13, $0x3  }
0x67: {  	s15 =	simm.s32 $0x0;
	v13 =	vor.u32 s1, v3;
	v15 =	vand.u32 $0x7E, v14;
	v14 =	vand.u32 $0x1C00, v16  }
0x68: {  	s2 =	simm.s32 $0x10;
	s16 =	simm.s32 $0x20;
	s0 =	simm.s32 $0x10;
	v14 =	vor.u32 $0x80, v14;
	v16 =	vmul.f32 v9, v10;
	v17 =	vmul.f32 v11, v12  }
.LBB2_4:
0x69: {  	p0 =	sne.s32 s16, $0x1F0;
	v15 =	vor.u32 v15, v14;
	v9 =	vmul.f32 v9, v12;
	v10 =	vmul.f32 v11, v10  }
0x6a: {  	v11 =	vand.u32 $0x7F, v13;
	v12 =	vsub.f32 v16, v17  }
0x6b: {  	v11 =	vor.u32 v11, v14;
	v9 =	vadd.f32 v10, v9  }
0x6c: {  	s15 =	sadd.s32 $0x80, s15;
	[tilespmem:v8+s22+$0x0] =	vst.idx.msk $0xffff, v12;
	v8 =	vmov v15  }
0x6d: {  	s17 =	sand.u32 $0x70, s2;
	s2 =	smov.u32 s16;
	s18 =	sand.u32 $0xC00, s15;
	[tilespmem:v7+s22+$0x0] =	vst.idx.msk $0xffff, v9;
	v7 =	vmov v11  }
0x6e: {  	s17 =	sor.u32 s18, s17;
	v9 =	vld.idx.msk [tilespmem:v15+s20+$0x0], $0xffff  }
0x6f: {  	v10 =	vld [tilespmem:s17+$0x5080]  }
0x70: {  	v11 =	vld.idx.msk [tilespmem:v11+s20+$0x0], $0xffff  }
0x71: {  	v12 =	vld [tilespmem:s17+$0x6080]  }
.Ltmp1:
0x72: {  	s1 =	sadd.s32 $0x20, s1;
	(pc) =	sbr.rel @p0 .LBB2_4-.Ltmp1, $4  }
0x73: {  	v13 =	vmov s1  }
0x74: {  	v14 =	vor.u32 s1, v0;
	v16 =	vshll.u32 v13, $0x3  }
0x75: {  	v13 =	vor.u32 s1, v3;
	v15 =	vand.u32 $0x7E, v14;
	v14 =	vand.u32 $0x1C00, v16  }
0x76: {  	s16 =	sadd.s32 $0x10, s16;
	v14 =	vor.u32 $0x80, v14;
	v16 =	vmul.f32 v9, v10;
	v17 =	vmul.f32 v11, v12  }
0x77: {  	_ = 	snop  }
0x78: {  	v15 =	vor.u32 v15, v14;
	v9 =	vmul.f32 v9, v12;
	v10 =	vmul.f32 v11, v10  }
0x79: {  	v12 =	vsub.f32 v16, v17  }
0x7a: {  	v11 =	vand.u32 $0x7F, v13;
	v9 =	vadd.f32 v10, v9  }
0x7b: {  	s1 =	sadd.s32 $0x80, s15;
	v11 =	vor.u32 v11, v14;
	[tilespmem:v8+s22+$0x0] =	vst.idx.msk $0xffff, v12  }
0x7c: {  	s2 =	sand.u32 $0x70, s2;
	s1 =	sand.u32 $0xC00, s1;
	[tilespmem:v7+s22+$0x0] =	vst.idx.msk $0xffff, v9  }
0x7d: {  	s1 =	sor.u32 s1, s2;
	v7 =	vld.idx.msk [tilespmem:v15+s20+$0x0], $0xffff  }
0x7e: {  	v8 =	vld [tilespmem:s1+$0x5080]  }
0x7f: {  	v10 =	vld [tilespmem:s1+$0x6080]  }
0x80: {  	v9 =	vld.idx.msk [tilespmem:v11+s20+$0x0], $0xffff;
	_ =	sdelay $0x4  }
0x81: {  	v14 =	vor.u32 $0x100, v5;
	v12 =	vmul.f32 v7, v8;
	v13 =	vmul.f32 v9, v10  }
0x82: {  	v5 =	vor.u32 v4, v14;
	v7 =	vmul.f32 v7, v10;
	v8 =	vmul.f32 v9, v8  }
0x83: {  	v9 =	vsub.f32 v12, v13  }
0x84: {  	v4 =	vor.u32 v6, v14;
	v7 =	vadd.f32 v8, v7  }
0x85: {  	[tilespmem:v15+s22+$0x0] =	vst.idx.msk $0xffff, v9  }
0x86: {  	[tilespmem:v11+s22+$0x0] =	vst.idx.msk $0xffff, v7  }
0x87: {  	v6 =	vld.idx.msk [tilespmem:v5+s20+$0x0], $0xffff  }
0x88: {  	v7 =	vld [tilespmem:s3+$0x5100]  }
0x89: {  	v8 =	vld.idx.msk [tilespmem:v4+s20+$0x0], $0xffff  }
0x8a: {  	v9 =	vld [tilespmem:s3+$0x6100]  }
0x8b: {  	s1 =	simm.s32 $0x20  }
0x8c: {  	v10 =	vmov s1  }
0x8d: {  	v13 =	vshll.u32 v10, $0x3;
	v11 =	vor.u32 s1, v0  }
0x8e: {  	v10 =	vor.u32 s1, v3;
	v12 =	vand.u32 $0x7E, v11;
	v11 =	vand.u32 $0x1C00, v13  }
0x8f: {  	s2 =	simm.s32 $0x20;
	v11 =	vor.u32 $0x100, v11;
	v13 =	vmul.f32 v6, v7;
	v14 =	vmul.f32 v8, v9  }
.LBB2_6:
0x90: {  	p0 =	sne.s32 s2, $0x1F0;
	v12 =	vor.u32 v12, v11;
	v6 =	vmul.f32 v6, v9;
	v7 =	vmul.f32 v8, v7  }
0x91: {  	v8 =	vand.u32 $0x7F, v10;
	v9 =	vsub.f32 v13, v14  }
0x92: {  	v8 =	vor.u32 v8, v11;
	v6 =	vadd.f32 v7, v6  }
0x93: {  	s31 =	sadd.s32 $0x80, s31;
	[tilespmem:v5+s22+$0x0] =	vst.idx.msk $0xffff, v9;
	v5 =	vmov v12  }
0x94: {  	s0 =	sand.u32 $0x70, s0;
	s3 =	sand.u32 $0xC00, s31;
	[tilespmem:v4+s22+$0x0] =	vst.idx.msk $0xffff, v6;
	v4 =	vmov v8  }
0x95: {  	s3 =	sor.u32 s3, s0;
	s0 =	smov.u32 s2;
	v6 =	vld.idx.msk [tilespmem:v12+s20+$0x0], $0xffff  }
0x96: {  	v7 =	vld [tilespmem:s3+$0x5100]  }
0x97: {  	v8 =	vld.idx.msk [tilespmem:v8+s20+$0x0], $0xffff  }
0x98: {  	v9 =	vld [tilespmem:s3+$0x6100]  }
.Ltmp2:
0x99: {  	s1 =	sadd.s32 $0x20, s1;
	(pc) =	sbr.rel @p0 .LBB2_6-.Ltmp2, $4  }
0x9a: {  	v10 =	vmov s1  }
0x9b: {  	v11 =	vor.u32 s1, v0;
	v13 =	vshll.u32 v10, $0x3  }
0x9c: {  	v10 =	vor.u32 s1, v3;
	v12 =	vand.u32 $0x7E, v11;
	v11 =	vand.u32 $0x1C00, v13  }
0x9d: {  	s2 =	sadd.s32 $0x10, s2;
	v11 =	vor.u32 $0x100, v11;
	v13 =	vmul.f32 v6, v7;
	v14 =	vmul.f32 v8, v9  }
0x9e: {  	_ = 	snop  }
0x9f: {  	v12 =	vor.u32 v12, v11;
	v6 =	vmul.f32 v6, v9;
	v7 =	vmul.f32 v8, v7  }
0xa0: {  	v9 =	vsub.f32 v13, v14  }
0xa1: {  	v8 =	vand.u32 $0x7F, v10;
	v6 =	vadd.f32 v7, v6  }
0xa2: {  	s1 =	sadd.s32 $0x80, s31;
	v10 =	vor.u32 v8, v11;
	[tilespmem:v5+s22+$0x0] =	vst.idx.msk $0xffff, v9  }
0xa3: {  	s0 =	sand.u32 $0x70, s0;
	s1 =	sand.u32 $0xC00, s1;
	[tilespmem:v4+s22+$0x0] =	vst.idx.msk $0xffff, v6  }
0xa4: {  	s0 =	sor.u32 s1, s0;
	v4 =	vld.idx.msk [tilespmem:v12+s20+$0x0], $0xffff  }
0xa5: {  	v6 =	vld [tilespmem:s0+$0x5100]  }
0xa6: {  	v8 =	vld [tilespmem:s0+$0x6100]  }
0xa7: {  	v7 =	vld.idx.msk [tilespmem:v10+s20+$0x0], $0xffff;
	_ =	sdelay $0x1  }
0xa8: {  	s31 =	simm.s32 $0x0  }
0xa9: {  	v5 =	vmov s31  }
0xaa: {  	v13 =	vor.u32 s31, v0;
	v5 =	vshll.u32 v5, $0x3  }
0xab: {  	v5 =	vand.u32 $0x1C00, v5;
	v9 =	vmul.f32 v4, v6;
	v11 =	vmul.f32 v7, v8  }
0xac: {  	v8 =	vmul.f32 v4, v8;
	v4 =	vand.u32 $0x7E, v13;
	v13 =	vor.u32 $0x180, v5  }
0xad: {  	v14 =	vmul.f32 v7, v6;
	v7 =	vor.u32 v4, v13  }
0xae: {  	v6 =	vor.u32 s31, v3;
	v9 =	vsub.f32 v9, v11  }
0xaf: {  	v6 =	vand.u32 $0x7F, v6;
	v11 =	vadd.f32 v14, v8  }
0xb0: {  	s18 =	sand.u32 $0xFFFFFC00, s31;
	v8 =	vor.u32 v6, v13;
	[tilespmem:v12+s22+$0x0] =	vst.idx.msk $0xffff, v9  }
0xb1: {  	s0 =	sadd.s32 $0x0, s18;
	[tilespmem:v10+s22+$0x0] =	vst.idx.msk $0xffff, v11  }
0xb2: {  	s0 =	sor.u32 $0x180, s0;
	v9 =	vld.idx.msk [tilespmem:v7+s20+$0x0], $0xffff  }
0xb3: {  	v10 =	vld [tilespmem:s0+$0x5000]  }
0xb4: {  	v12 =	vld [tilespmem:s0+$0x6000]  }
0xb5: {  	v11 =	vld.idx.msk [tilespmem:v8+s20+$0x0], $0xffff  }
0xb6: {  	s0 =	simm.s32 $0x20  }
0xb7: {  	v13 =	vmov s0  }
0xb8: {  	v14 =	vor.u32 s0, v0;
	v16 =	vshll.u32 v13, $0x3  }
0xb9: {  	v13 =	vor.u32 s0, v3;
	v15 =	vand.u32 $0x7E, v14;
	v14 =	vand.u32 $0x1C00, v16  }
0xba: {  	s3 =	simm.s32 $0x80;
	s2 =	simm.s32 $0x100;
	s1 =	simm.s32 $0x0;
	v14 =	vor.u32 $0x180, v14;
	v16 =	vmul.f32 v9, v10;
	v17 =	vmul.f32 v11, v12  }
.LBB2_8:
0xbb: {  	p0 =	sne.s32 s2, $0xF80;
	v15 =	vor.u32 v15, v14;
	v9 =	vmul.f32 v9, v12;
	v10 =	vmul.f32 v11, v10  }
0xbc: {  	v11 =	vand.u32 $0x7F, v13;
	v12 =	vsub.f32 v16, v17  }
0xbd: {  	v11 =	vor.u32 v11, v14;
	v9 =	vadd.f32 v10, v9  }
0xbe: {  	s15 =	sand.u32 $0xFFFFFC00, s3;
	s1 =	sadd.s32 $0x10, s1;
	s3 =	smov.u32 s2;
	[tilespmem:v7+s22+$0x0] =	vst.idx.msk $0xffff, v12;
	v7 =	vmov v15  }
0xbf: {  	s15 =	sadd.s32 s15, s1;
	[tilespmem:v8+s22+$0x0] =	vst.idx.msk $0xffff, v9;
	v8 =	vmov v11  }
0xc0: {  	s15 =	sor.u32 $0x180, s15;
	v9 =	vld.idx.msk [tilespmem:v15+s20+$0x0], $0xffff  }
0xc1: {  	v10 =	vld [tilespmem:s15+$0x5000]  }
0xc2: {  	v11 =	vld.idx.msk [tilespmem:v11+s20+$0x0], $0xffff  }
0xc3: {  	v12 =	vld [tilespmem:s15+$0x6000]  }
.Ltmp3:
0xc4: {  	s0 =	sadd.s32 $0x20, s0;
	(pc) =	sbr.rel @p0 .LBB2_8-.Ltmp3, $4  }
0xc5: {  	v13 =	vmov s0  }
0xc6: {  	v14 =	vor.u32 s0, v0;
	v16 =	vshll.u32 v13, $0x3  }
0xc7: {  	v13 =	vor.u32 s0, v3;
	v15 =	vand.u32 $0x7E, v14;
	v14 =	vand.u32 $0x1C00, v16  }
0xc8: {  	s2 =	sadd.s32 $0x80, s2;
	v14 =	vor.u32 $0x180, v14;
	v16 =	vmul.f32 v9, v10;
	v17 =	vmul.f32 v11, v12  }
0xc9: {  	_ = 	snop  }
0xca: {  	v15 =	vor.u32 v15, v14;
	v9 =	vmul.f32 v9, v12;
	v10 =	vmul.f32 v11, v10  }
0xcb: {  	v12 =	vsub.f32 v16, v17  }
0xcc: {  	v11 =	vand.u32 $0x7F, v13;
	v9 =	vadd.f32 v10, v9  }
0xcd: {  	s0 =	sand.u32 $0xFFFFFC00, s3;
	s1 =	sadd.s32 $0x10, s1;
	v11 =	vor.u32 v11, v14;
	[tilespmem:v7+s22+$0x0] =	vst.idx.msk $0xffff, v12  }
0xce: {  	s0 =	sadd.s32 s0, s1;
	[tilespmem:v8+s22+$0x0] =	vst.idx.msk $0xffff, v9  }
0xcf: {  	s0 =	sor.u32 $0x180, s0;
	v7 =	vld.idx.msk [tilespmem:v15+s20+$0x0], $0xffff  }
0xd0: {  	v8 =	vld [tilespmem:s0+$0x5000]  }
0xd1: {  	v10 =	vld [tilespmem:s0+$0x6000]  }
0xd2: {  	v9 =	vld.idx.msk [tilespmem:v11+s20+$0x0], $0xffff;
	_ =	sdelay $0x4  }
0xd3: {  	v14 =	vor.u32 $0x200, v5;
	v12 =	vmul.f32 v7, v8;
	v13 =	vmul.f32 v9, v10  }
0xd4: {  	v5 =	vor.u32 v4, v14;
	v7 =	vmul.f32 v7, v10;
	v8 =	vmul.f32 v9, v8  }
0xd5: {  	v9 =	vsub.f32 v12, v13  }
0xd6: {  	v4 =	vor.u32 v6, v14;
	v7 =	vadd.f32 v8, v7  }
0xd7: {  	[tilespmem:v15+s22+$0x0] =	vst.idx.msk $0xffff, v9  }
0xd8: {  	s17 =	sand.u32 $0x70, s31;
	s18 =	sand.u32 $0xC00, s31;
	[tilespmem:v11+s22+$0x0] =	vst.idx.msk $0xffff, v7  }
0xd9: {  	s0 =	sor.u32 s18, s17;
	v6 =	vld.idx.msk [tilespmem:v5+s20+$0x0], $0xffff  }
0xda: {  	v7 =	vld [tilespmem:s0+$0x5200]  }
0xdb: {  	v8 =	vld.idx.msk [tilespmem:v4+s20+$0x0], $0xffff  }
0xdc: {  	v9 =	vld [tilespmem:s0+$0x6200]  }
0xdd: {  	s0 =	simm.s32 $0x20  }
0xde: {  	v10 =	vmov s0  }
0xdf: {  	v11 =	vor.u32 s0, v0;
	v13 =	vshll.u32 v10, $0x3  }
0xe0: {  	v10 =	vor.u32 s0, v3;
	v12 =	vand.u32 $0x7E, v11;
	v11 =	vand.u32 $0x1C00, v13  }
0xe1: {  	s2 =	simm.s32 $0x20;
	s1 =	simm.s32 $0x10;
	v11 =	vor.u32 $0x200, v11;
	v13 =	vmul.f32 v6, v7;
	v14 =	vmul.f32 v8, v9  }
.LBB2_10:
0xe2: {  	p0 =	sne.s32 s2, $0x1F0;
	v12 =	vor.u32 v12, v11;
	v6 =	vmul.f32 v6, v9;
	v7 =	vmul.f32 v8, v7  }
0xe3: {  	v8 =	vand.u32 $0x7F, v10;
	v9 =	vsub.f32 v13, v14  }
0xe4: {  	v8 =	vor.u32 v8, v11;
	v6 =	vadd.f32 v7, v6  }
0xe5: {  	s31 =	sadd.s32 $0x80, s31;
	[tilespmem:v5+s22+$0x0] =	vst.idx.msk $0xffff, v9;
	v5 =	vmov v12  }
0xe6: {  	s1 =	sand.u32 $0x70, s1;
	s3 =	sand.u32 $0xC00, s31;
	[tilespmem:v4+s22+$0x0] =	vst.idx.msk $0xffff, v6;
	v4 =	vmov v8  }
0xe7: {  	s3 =	sor.u32 s3, s1;
	s1 =	smov.u32 s2;
	v6 =	vld.idx.msk [tilespmem:v12+s20+$0x0], $0xffff  }
0xe8: {  	v7 =	vld [tilespmem:s3+$0x5200]  }
0xe9: {  	v8 =	vld.idx.msk [tilespmem:v8+s20+$0x0], $0xffff  }
0xea: {  	v9 =	vld [tilespmem:s3+$0x6200]  }
.Ltmp4:
0xeb: {  	s0 =	sadd.s32 $0x20, s0;
	(pc) =	sbr.rel @p0 .LBB2_10-.Ltmp4, $4  }
0xec: {  	v10 =	vmov s0  }
0xed: {  	v11 =	vor.u32 s0, v0;
	v13 =	vshll.u32 v10, $0x3  }
0xee: {  	v10 =	vor.u32 s0, v3;
	v12 =	vand.u32 $0x7E, v11;
	v11 =	vand.u32 $0x1C00, v13  }
0xef: {  	s2 =	sadd.s32 $0x10, s2;
	v11 =	vor.u32 $0x200, v11;
	v13 =	vmul.f32 v6, v7;
	v14 =	vmul.f32 v8, v9  }
0xf0: {  	_ = 	snop  }
0xf1: {  	v12 =	vor.u32 v12, v11;
	v6 =	vmul.f32 v6, v9;
	v7 =	vmul.f32 v8, v7  }
0xf2: {  	v9 =	vsub.f32 v13, v14  }
0xf3: {  	v8 =	vand.u32 $0x7F, v10;
	v6 =	vadd.f32 v7, v6  }
0xf4: {  	s0 =	sadd.s32 $0x80, s31;
	v10 =	vor.u32 v8, v11;
	[tilespmem:v5+s22+$0x0] =	vst.idx.msk $0xffff, v9  }
0xf5: {  	s1 =	sand.u32 $0x70, s1;
	s0 =	sand.u32 $0xC00, s0;
	[tilespmem:v4+s22+$0x0] =	vst.idx.msk $0xffff, v6  }
0xf6: {  	s0 =	sor.u32 s0, s1;
	v5 =	vld.idx.msk [tilespmem:v12+s20+$0x0], $0xffff  }
0xf7: {  	v6 =	vld [tilespmem:s0+$0x5200]  }
0xf8: {  	v8 =	vld [tilespmem:s0+$0x6200]  }
0xf9: {  	v7 =	vld.idx.msk [tilespmem:v10+s20+$0x0], $0xffff  }
0xfa: {  	s31 =	simm.s32 $0x0  }
0xfb: {  	v4 =	vmov s31  }
0xfc: {  	v13 =	vor.u32 s31, v0;
	v4 =	vshll.u32 v4, $0x3  }
0xfd: {  	v14 =	vand.u32 $0x1C00, v4;
	v9 =	vmul.f32 v5, v6;
	v15 =	vmul.f32 v5, v8  }
0xfe: {  	v5 =	vand.u32 $0x7E, v13;
	v13 =	vor.u32 $0x280, v14;
	v11 =	vmul.f32 v7, v8  }
0xff: {  	v7 =	vmul.f32 v7, v6;
	v8 =	vor.u32 v5, v13  }
0x100: {  	v6 =	vor.u32 s31, v3;
	v9 =	vsub.f32 v9, v11  }
0x101: {  	v6 =	vand.u32 $0x7F, v6;
	v11 =	vadd.f32 v7, v15  }
0x102: {  	v7 =	vor.u32 v6, v13;
	[tilespmem:v12+s22+$0x0] =	vst.idx.msk $0xffff, v9  }
0x103: {  	s17 =	sand.u32 $0x70, s31;
	s18 =	sand.u32 $0xC00, s31;
	[tilespmem:v10+s22+$0x0] =	vst.idx.msk $0xffff, v11  }
0x104: {  	s3 =	sor.u32 s18, s17;
	v9 =	vld.idx.msk [tilespmem:v8+s20+$0x0], $0xffff  }
0x105: {  	v10 =	vld [tilespmem:s3+$0x5280]  }
0x106: {  	v12 =	vld [tilespmem:s3+$0x6280]  }
0x107: {  	v11 =	vld.idx.msk [tilespmem:v7+s20+$0x0], $0xffff  }
0x108: {  	s1 =	simm.s32 $0x20  }
0x109: {  	v13 =	vmov s1  }
0x10a: {  	v14 =	vor.u32 s1, v0;
	v16 =	vshll.u32 v13, $0x3  }
0x10b: {  	s16 =	simm.s32 $0x20;
	v15 =	vand.u32 $0x7E, v14;
	v13 =	vor.u32 s1, v3;
	v14 =	vand.u32 $0x1C00, v16  }
0x10c: {  	s15 =	simm.s32 $0x0;
	s2 =	simm.s32 $0x10;
	s0 =	simm.s32 $0x10;
	v14 =	vor.u32 $0x280, v14;
	v16 =	vmul.f32 v9, v10;
	v17 =	vmul.f32 v11, v12  }
.LBB2_12:
0x10d: {  	p0 =	sne.s32 s16, $0x1F0;
	v15 =	vor.u32 v15, v14;
	v9 =	vmul.f32 v9, v12;
	v10 =	vmul.f32 v11, v10  }
0x10e: {  	v11 =	vand.u32 $0x7F, v13;
	v12 =	vsub.f32 v16, v17  }
0x10f: {  	v11 =	vor.u32 v11, v14;
	v9 =	vadd.f32 v10, v9  }
0x110: {  	s15 =	sadd.s32 $0x80, s15;
	[tilespmem:v8+s22+$0x0] =	vst.idx.msk $0xffff, v12;
	v8 =	vmov v15  }
0x111: {  	s17 =	sand.u32 $0x70, s2;
	s2 =	smov.u32 s16;
	s18 =	sand.u32 $0xC00, s15;
	[tilespmem:v7+s22+$0x0] =	vst.idx.msk $0xffff, v9;
	v7 =	vmov v11  }
0x112: {  	s17 =	sor.u32 s18, s17;
	v9 =	vld.idx.msk [tilespmem:v15+s20+$0x0], $0xffff  }
0x113: {  	v10 =	vld [tilespmem:s17+$0x5280]  }
0x114: {  	v11 =	vld.idx.msk [tilespmem:v11+s20+$0x0], $0xffff  }
0x115: {  	v12 =	vld [tilespmem:s17+$0x6280]  }
.Ltmp5:
0x116: {  	s1 =	sadd.s32 $0x20, s1;
	(pc) =	sbr.rel @p0 .LBB2_12-.Ltmp5, $4  }
0x117: {  	v13 =	vmov s1  }
0x118: {  	v14 =	vor.u32 s1, v0;
	v16 =	vshll.u32 v13, $0x3  }
0x119: {  	v13 =	vor.u32 s1, v3;
	v15 =	vand.u32 $0x7E, v14;
	v14 =	vand.u32 $0x1C00, v16  }
0x11a: {  	s16 =	sadd.s32 $0x10, s16;
	v14 =	vor.u32 $0x280, v14;
	v16 =	vmul.f32 v9, v10;
	v17 =	vmul.f32 v11, v12  }
0x11b: {  	_ = 	snop  }
0x11c: {  	v15 =	vor.u32 v15, v14;
	v9 =	vmul.f32 v9, v12;
	v10 =	vmul.f32 v11, v10  }
0x11d: {  	v12 =	vsub.f32 v16, v17  }
0x11e: {  	v11 =	vand.u32 $0x7F, v13;
	v9 =	vadd.f32 v10, v9  }
0x11f: {  	s1 =	sadd.s32 $0x80, s15;
	v11 =	vor.u32 v11, v14;
	[tilespmem:v8+s22+$0x0] =	vst.idx.msk $0xffff, v12  }
0x120: {  	s2 =	sand.u32 $0x70, s2;
	s1 =	sand.u32 $0xC00, s1;
	[tilespmem:v7+s22+$0x0] =	vst.idx.msk $0xffff, v9  }
0x121: {  	s1 =	sor.u32 s1, s2;
	v7 =	vld.idx.msk [tilespmem:v15+s20+$0x0], $0xffff  }
0x122: {  	v8 =	vld [tilespmem:s1+$0x5280]  }
0x123: {  	v10 =	vld [tilespmem:s1+$0x6280]  }
0x124: {  	v9 =	vld.idx.msk [tilespmem:v11+s20+$0x0], $0xffff;
	_ =	sdelay $0x4  }
0x125: {  	v4 =	vor.u32 $0x300, v4;
	v12 =	vmul.f32 v7, v8;
	v13 =	vmul.f32 v9, v10  }
0x126: {  	v5 =	vor.u32 v5, v4;
	v7 =	vmul.f32 v7, v10;
	v8 =	vmul.f32 v9, v8  }
0x127: {  	v9 =	vsub.f32 v12, v13  }
0x128: {  	v4 =	vor.u32 v6, v4;
	v7 =	vadd.f32 v8, v7  }
0x129: {  	[tilespmem:v15+s22+$0x0] =	vst.idx.msk $0xffff, v9  }
0x12a: {  	[tilespmem:v11+s22+$0x0] =	vst.idx.msk $0xffff, v7  }
0x12b: {  	v11 =	vld.idx.msk [tilespmem:v5+s20+$0x0], $0xffff  }
0x12c: {  	v12 =	vld [tilespmem:s3+$0x5300]  }
0x12d: {  	v13 =	vld.idx.msk [tilespmem:v4+s20+$0x0], $0xffff  }
0x12e: {  	v14 =	vld [tilespmem:s3+$0x6300]  }
0x12f: {  	s1 =	simm.s32 $0x20  }
0x130: {  	v6 =	vmov s1  }
0x131: {  	v6 =	vshll.u32 v6, $0x3;
	v8 =	vor.u32 s1, v0  }
0x132: {  	v15 =	vand.u32 $0x7E, v8;
	v8 =	vor.u32 $0x300, v6  }
0x133: {  	v7 =	vor.u32 s1, v3;
	v9 =	vmul.f32 v11, v12;
	v10 =	vmul.f32 v13, v14  }
0x134: {  	s2 =	simm.s32 $0x20;
	v6 =	vor.u32 v15, v8;
	v11 =	vmul.f32 v11, v14;
	v12 =	vmul.f32 v13, v12  }
.LBB2_14:
0x135: {  	p0 =	sne.s32 s2, $0x1F0;
	v7 =	vand.u32 $0x7F, v7;
	v9 =	vsub.f32 v9, v10  }
0x136: {  	v7 =	vor.u32 v7, v8;
	v8 =	vadd.f32 v12, v11  }
0x137: {  	s31 =	sadd.s32 $0x80, s31;
	[tilespmem:v5+s22+$0x0] =	vst.idx.msk $0xffff, v9;
	v5 =	vmov v6  }
0x138: {  	s3 =	sand.u32 $0x70, s0;
	s0 =	smov.u32 s2;
	s15 =	sand.u32 $0xC00, s31;
	[tilespmem:v4+s22+$0x0] =	vst.idx.msk $0xffff, v8;
	v4 =	vmov v7  }
0x139: {  	s3 =	sor.u32 s15, s3;
	v11 =	vld.idx.msk [tilespmem:v6+s20+$0x0], $0xffff  }
0x13a: {  	v12 =	vld [tilespmem:s3+$0x5300]  }
0x13b: {  	v13 =	vld.idx.msk [tilespmem:v7+s20+$0x0], $0xffff  }
0x13c: {  	v14 =	vld [tilespmem:s3+$0x6300];
	_ =	sdelay $0x1  }
.Ltmp6:
0x13d: {  	s1 =	sadd.s32 $0x20, s1;
	(pc) =	sbr.rel @p0 .LBB2_14-.Ltmp6, $4  }
0x13e: {  	v8 =	vor.u32 s1, v0;
	v6 =	vmov s1  }
0x13f: {  	v15 =	vand.u32 $0x7E, v8;
	v6 =	vshll.u32 v6, $0x3;
	v7 =	vor.u32 s1, v3  }
0x140: {  	v8 =	vor.u32 $0x300, v6;
	v9 =	vmul.f32 v11, v12;
	v10 =	vmul.f32 v13, v14  }
0x141: {  	s2 =	sadd.s32 $0x10, s2;
	v6 =	vor.u32 v15, v8;
	v12 =	vmul.f32 v13, v12;
	v11 =	vmul.f32 v11, v14  }
0x142: {  	_ =	sdelay $0x1  }
0x143: {  	v7 =	vand.u32 $0x7F, v7;
	v9 =	vsub.f32 v9, v10  }
0x144: {  	v7 =	vor.u32 v7, v8;
	v8 =	vadd.f32 v12, v11  }
0x145: {  	s1 =	sadd.s32 $0x80, s31;
	[tilespmem:v5+s22+$0x0] =	vst.idx.msk $0xffff, v9  }
0x146: {  	s0 =	sand.u32 $0x70, s0;
	s1 =	sand.u32 $0xC00, s1;
	[tilespmem:v4+s22+$0x0] =	vst.idx.msk $0xffff, v8  }
0x147: {  	s0 =	sor.u32 s1, s0;
	v4 =	vld.idx.msk [tilespmem:v6+s20+$0x0], $0xffff  }
0x148: {  	v5 =	vld [tilespmem:s0+$0x5300]  }
0x149: {  	v9 =	vld [tilespmem:s0+$0x6300]  }
0x14a: {  	v8 =	vld.idx.msk [tilespmem:v7+s20+$0x0], $0xffff  }
0x14b: {  	s0 =	simm.s32 $0x0  }
0x14c: {  	v11 =	vmov s0  }
0x14d: {  	v11 =	vshll.u32 v11, $0x3  }
0x14e: {  	v13 =	vor.u32 s0, v0;
	v11 =	vor.u32 $0x380, v11;
	v10 =	vmul.f32 v4, v5  }
0x14f: {  	v12 =	vmul.f32 v8, v9;
	v9 =	vmul.f32 v4, v9;
	v4 =	vand.u32 $0x7E, v13  }
0x150: {  	v5 =	vmul.f32 v8, v5;
	v4 =	vor.u32 v4, v11  }
0x151: {  	v8 =	vor.u32 s0, v3;
	v10 =	vsub.f32 v10, v12  }
0x152: {  	v8 =	vand.u32 $0x7F, v8;
	v9 =	vadd.f32 v5, v9  }
0x153: {  	v5 =	vor.u32 v8, v11;
	[tilespmem:v6+s22+$0x0] =	vst.idx.msk $0xffff, v10  }
0x154: {  	s31 =	sor.u32 s0, s0;
	[tilespmem:v7+s22+$0x0] =	vst.idx.msk $0xffff, v9  }
0x155: {  	s1 =	sor.u32 $0x380, s31;
	v11 =	vld.idx.msk [tilespmem:v4+s20+$0x0], $0xffff  }
0x156: {  	v12 =	vld [tilespmem:s1+$0x5000]  }
0x157: {  	v14 =	vld [tilespmem:s1+$0x6000]  }
0x158: {  	v13 =	vld.idx.msk [tilespmem:v5+s20+$0x0], $0xffff;
	_ =	sdelay $0x1  }
0x159: {  	s1 =	simm.s32 $0x20  }
0x15a: {  	v6 =	vmov s1;
	v8 =	vor.u32 s1, v0  }
0x15b: {  	v7 =	vor.u32 s1, v3;
	v15 =	vand.u32 $0x7E, v8;
	v6 =	vshll.u32 v6, $0x3  }
0x15c: {  	v8 =	vor.u32 $0x380, v6;
	v9 =	vmul.f32 v11, v12;
	v10 =	vmul.f32 v13, v14  }
0x15d: {  	s2 =	simm.s32 $0x10;
	s3 =	simm.s32 $0x20;
	v6 =	vor.u32 v15, v8;
	v11 =	vmul.f32 v11, v14;
	v12 =	vmul.f32 v13, v12  }
.LBB2_16:
0x15e: {  	p0 =	sne.s32 s3, $0x1F0;
	v7 =	vand.u32 $0x7F, v7;
	v9 =	vsub.f32 v9, v10  }
0x15f: {  	v7 =	vor.u32 v7, v8;
	v8 =	vadd.f32 v12, v11  }
0x160: {  	s0 =	sadd.s32 $0x80, s0;
	[tilespmem:v4+s22+$0x0] =	vst.idx.msk $0xffff, v9;
	v4 =	vmov v6  }
0x161: {  	s15 =	sor.u32 s0, s2;
	s2 =	smov.u32 s3;
	[tilespmem:v5+s22+$0x0] =	vst.idx.msk $0xffff, v8;
	v5 =	vmov v7  }
0x162: {  	s15 =	sor.u32 $0x380, s15;
	v11 =	vld.idx.msk [tilespmem:v6+s20+$0x0], $0xffff  }
0x163: {  	v12 =	vld [tilespmem:s15+$0x5000]  }
0x164: {  	v13 =	vld.idx.msk [tilespmem:v7+s20+$0x0], $0xffff  }
0x165: {  	v14 =	vld [tilespmem:s15+$0x6000];
	_ =	sdelay $0x1  }
.Ltmp7:
0x166: {  	s1 =	sadd.s32 $0x20, s1;
	(pc) =	sbr.rel @p0 .LBB2_16-.Ltmp7, $4  }
0x167: {  	v8 =	vor.u32 s1, v0;
	v6 =	vmov s1  }
0x168: {  	v15 =	vand.u32 $0x7E, v8;
	v6 =	vshll.u32 v6, $0x3;
	v7 =	vor.u32 s1, v3  }
0x169: {  	v8 =	vor.u32 $0x380, v6;
	v9 =	vmul.f32 v11, v12;
	v10 =	vmul.f32 v13, v14  }
0x16a: {  	s3 =	sadd.s32 $0x10, s3;
	v6 =	vor.u32 v15, v8;
	v12 =	vmul.f32 v13, v12;
	v11 =	vmul.f32 v11, v14  }
0x16b: {  	_ =	sdelay $0x1  }
0x16c: {  	v9 =	vsub.f32 v9, v10  }
0x16d: {  	v7 =	vand.u32 $0x7F, v7;
	v60 =	vadd.f32 v12, v11  }
0x16e: {  	s0 =	sadd.s32 $0x80, s0;
	v7 =	vor.u32 v7, v8;
	[tilespmem:v4+s22+$0x0] =	vst.idx.msk $0xffff, v9  }
0x16f: {  	s0 =	sor.u32 s0, s2;
	[tilespmem:v5+s22+$0x0] =	vst.idx.msk $0xffff, v60  }
0x170: {  	s0 =	sor.u32 $0x380, s0;
	v4 =	vld.idx.msk [tilespmem:v6+s20+$0x0], $0xffff  }
0x171: {  	v5 =	vld [tilespmem:s0+$0x5000]  }
0x172: {  	v9 =	vld [tilespmem:s0+$0x6000]  }
0x173: {  	v8 =	vld.idx.msk [tilespmem:v7+s20+$0x0], $0xffff;
	_ =	sdelay $0x4  }
0x174: {  	v61 =	vmul.f32 v4, v5;
	v62 =	vmul.f32 v8, v9  }
0x175: {  	v4 =	vmul.f32 v4, v9;
	v5 =	vmul.f32 v8, v5  }
0x176: {  	v63 =	vsub.f32 v61, v62  }
0x177: {  	v4 =	vadd.f32 v5, v4  }
0x178: {  	[tilespmem:v6+s22+$0x0] =	vst.idx.msk $0xffff, v63  }
0x179: {  	[tilespmem:v7+s22+$0x0] =	vst.idx.msk $0xffff, v4  }
0x17a: {  	_ =	swait.ge [sflag:s21], $0x2000  }
0x17b: {  	[sflag:s21] =	ssyncset.done $0x0  }
0x17c: {  	[sflag:s21] =	ssyncadd.s32 $0xFFFFE000  }
0x17d: {  	v4 =	vld.msk [tilespmem:s6+$0x0], $0xff;
	_ =	sdelay $0x4  }
0x17e: {  	v5 =	vshll.u32 v4, $0x3  }
0x17f: {  	v4 =	vand.u32 $0x7, v4;
	v5 =	vand.u32 $0xFFFFFFC0, v5  }
0x180: {  	v4 =	vor.u32 v4, v5  }
0x181: {  	v4 =	vperm.xlane v4, v1;
	_ =	sdelay $0x1  }
0x182: {  	v4 =	vadd.s32 v2, v4;
	_ =	sdelay $0x4  }
0x183: {  	[hbm4b:s11+s4] =	stream.indirect_vreg.scatter [tilespmem:s22], [sflag:$0x1], $0x80, v4, vm0, $0xb8;
	[tilespmem:$0x9000] =	vst v63  }
0x184: {  	s3 =	sadd.s32 $0x100, s11  }
0x185: {  	[hbm4b:s3+s4] =	stream.indirect_vreg.scatter [tilespmem:s23], [sflag:$0x1], $0x80, v4, vm0, $0xb8;
	[tilespmem:$0x9000] =	vst v63  }
0x186: {  	s15 =	sadd.s32 $0x200, s11  }
0x187: {  	[hbm4b:s15+s4] =	stream.indirect_vreg.scatter [tilespmem:s24], [sflag:$0x1], $0x80, v4, vm0, $0xb8;
	[tilespmem:$0x9000] =	vst v63  }
0x188: {  	s16 =	sadd.s32 $0x300, s11  }
0x189: {  	[hbm4b:s16+s4] =	stream.indirect_vreg.scatter [tilespmem:s25], [sflag:$0x1], $0x80, v4, vm0, $0xb8;
	[tilespmem:$0x9000] =	vst v63  }
0x18a: {  	v4 =	vld.msk [tilespmem:s6+$0x0], $0xff;
	_ =	sdelay $0x4  }
0x18b: {  	v5 =	vshll.u32 v4, $0x3  }
0x18c: {  	v4 =	vand.u32 $0x7, v4;
	v5 =	vand.u32 $0xFFFFFFC0, v5  }
0x18d: {  	v4 =	vor.u32 v4, v5  }
0x18e: {  	v4 =	vperm.xlane v4, v1;
	_ =	sdelay $0x1  }
0x18f: {  	v4 =	vadd.s32 v2, v4;
	_ =	sdelay $0x4  }
0x190: {  	[hbm4b:s12+s4] =	stream.indirect_vreg.scatter [tilespmem:s19], [sflag:$0x1], $0x80, v4, vm0, $0xb8;
	[tilespmem:$0x9000] =	vst v63  }
0x191: {  	s17 =	sadd.s32 $0x100, s12  }
0x192: {  	[hbm4b:s17+s4] =	stream.indirect_vreg.scatter [tilespmem:s26], [sflag:$0x1], $0x80, v4, vm0, $0xb8;
	[tilespmem:$0x9000] =	vst v63  }
0x193: {  	s18 =	sadd.s32 $0x200, s12  }
0x194: {  	[hbm4b:s18+s4] =	stream.indirect_vreg.scatter [tilespmem:s28], [sflag:$0x1], $0x80, v4, vm0, $0xb8;
	[tilespmem:$0x9000] =	vst v63  }
0x195: {  	s31 =	sadd.s32 $0x300, s12;
	s30 =	sadd.s32 $0x1, s30  }
0x196: {  	[hbm4b:s31+s4] =	stream.indirect_vreg.scatter [tilespmem:s29], [sflag:$0x1], $0x80, v4, vm0, $0xb8;
	[tilespmem:$0x9000] =	vst v63  }
0x197: {  	p0 =	sne.s32 s30, s13;
	_ =	swait.ge [sflag:s21], $0x2000  }
.Ltmp8:
0x198: {  	[sflag:s21] =	ssyncset.done $0x0;
	(pc) =	sbr.rel @p0 .LBB2_1-.Ltmp8, $4  }
0x199: {  	[sflag:s21] =	ssyncadd.s32 $0xFFFFE000  }
0x19a: {  	_ =	swait.ge [sflag:s21], $0x2000  }
0x19b: {  	[sflag:s21] =	ssyncset.done $0x0  }
0x19c: {  	[sflag:s21] =	ssyncadd.s32 $0xFFFFE000  }
0x19d: {  	_ =	sfence.sel $0x180000  }
0x19e: {  	[bflag:$0x0] =	sbarrier.arrive $0xFFFF  }
0x19f: {  	_ =	strace $0x90000047  }
0x1a0: {  	s0 =	stileid.u32;
	[bflag:$0x2] =	sbarrier.arrive $0xFFFF  }
0x1a1: {  	p0 =	sne.s32 s0, $0x0;
	s0 =	rddreg [dreg:$0x6]  }
0x1a2: {  	s0 =	sadd.s32 @!p0 $0x100000, s0  }
0x1a3: {  	[sflag:s0] =	ssyncadd.tile.s32 @!p0 $0x1;
	_ =	shalt  }
.Lfunc_end2:
_tile_overlayer_lowered:
.L_overlay_start_2:
0x1a4: {  	(tag) =	ssettag $0x2  }
0x1a5: {  	s0 =	rddreg [dreg:$0x0];
	s2 =	stileid.u32  }
0x1a6: {  	s1 =	rddreg [dreg:$0x1];
	p0 =	sne.s32 s2, $0x0  }
0x1a7: {  	s3 =	rddreg [dreg:$0x2];
	[bflag:$0x3] =	sbarrier.arrive $0xFFFF;
	s2 =	simm.s32 @!p0 $0x1C02  }
0x1a8: {  	[timem:s3], [sflag:s2] =	dma.local @!p0 [hbm:s0], s1  }
0x1a9: {  	s0 =	simm.s32 @!p0 $0x2  }
0x1aa: {  	_ =	swait.ge @!p0 [sflag:s0], s1  }
0x1ab: {  	s1 =	ssub.s32 @!p0 $0x0, s1;
	[sflag:s0] =	ssyncset.done @!p0 $0x0  }
0x1ac: {  	[sflag:s0] =	ssyncadd.s32 @!p0 s1  }
0x1ad: {  	[bflag:$0x3] =	sbarrier.arrive $0xFFFF  }
0x1ae: {  	_ =	shalt  }

</sc_bundles>
